<compile_context>
chip_gen: v7x
topology: tpu7x:2x2x1
jax: 0.10.2.dev20260603
libtpu: 0.0.44.dev20260713+nightly
codegen_flags: <defaults>
</compile_context>

<pallas_src>
import functools

import jax
import jax.numpy as jnp
from jax import lax
from jax.experimental import pallas as pl
from jax.experimental.pallas import tpu as pltpu
from jax.experimental.pallas import tpu_sc as plsc

_N = 10000
_R = 2
_E = 160000
_D = 128
_OUT = 128
_DA = 64

_NT = 16
_EPT = _E // _NT
_CH = 128
_EPTP = 10240
_NCH = _EPTP // _CH
_NPH = 2
_NCHP = _NCH // _NPH
_TRASH = _N
_NPAD = 10240
_RPT = _NPAD // _NT

_B = 1000
_NB = _N // _B


def _sc_scatter(h, ei, zeros):
    mesh = plsc.VectorSubcoreMesh(core_axis_name="c", subcore_axis_name="s")

    @functools.partial(
        pl.kernel,
        mesh=mesh,
        out_type=jax.ShapeDtypeStruct((_R, _NPAD, _OUT), jnp.float32),
        scratch_types=[
            pltpu.VMEM((_NCHP, _CH), jnp.int32),
            pltpu.VMEM((_NCHP, _CH), jnp.int32),
            pltpu.VMEM((2, _CH, _OUT), jnp.float32),
            pltpu.VMEM_SHARED((_NPAD, _OUT), jnp.float32),
            pltpu.SemaphoreType.DMA,
            pltpu.SemaphoreType.DMA,
        ],
    )
    def k(h_hbm, ei_hbm, z_hbm, out_hbm, src_v, dst_v, rows_v, agg_sh, sem0, sem1):
        c = lax.axis_index("c")
        s = lax.axis_index("s")
        sems = (sem0, sem1)

        def stage_and_prime(p):
            rr = pl.ds(p * _NCHP, _NCHP)
            pltpu.sync_copy(ei_hbm.at[c, 0, s, rr], src_v)
            pltpu.sync_copy(ei_hbm.at[c, 1, s, rr], dst_v)
            pltpu.async_copy(h_hbm.at[src_v.at[0]], rows_v.at[0], sem0)
            pltpu.async_copy(h_hbm.at[src_v.at[1]], rows_v.at[1], sem1)

        def halfstep(j, b):
            pltpu.make_async_copy(
                h_hbm.at[src_v.at[j]], rows_v.at[b], sems[b]).wait()
            pltpu.sync_copy(rows_v.at[b], agg_sh.at[dst_v.at[j]], add=True)

            @pl.when(j + 2 < _NCHP)
            def _():
                pltpu.async_copy(
                    h_hbm.at[src_v.at[j + 2]], rows_v.at[b], sems[b])

        def body(i, carry):
            halfstep(i * 2, 0)
            halfstep(i * 2 + 1, 1)
            return carry

        stage_and_prime(0)
        rows = pl.ds(s * _RPT, _RPT)
        pltpu.sync_copy(z_hbm.at[rows], agg_sh.at[rows])
        plsc.subcore_barrier()
        lax.fori_loop(0, _NCHP // 2, body, 0)
        for p in range(1, _NPH):
            stage_and_prime(p)
            lax.fori_loop(0, _NCHP // 2, body, 0)
        plsc.subcore_barrier()
        pltpu.sync_copy(agg_sh.at[rows], out_hbm.at[c, rows])

    return k(h, ei, zeros)


def _mlp(x, w1_ref, b1_ref, w2_ref, b2_ref):
    x1 = jnp.maximum(
        jnp.dot(x, w1_ref[...], preferred_element_type=jnp.float32)
        + b1_ref[...], 0.0)
    return jnp.maximum(
        jnp.dot(x1, w2_ref[...], preferred_element_type=jnp.float32)
        + b2_ref[...], 0.0)


_W_SPECS = [
    pl.BlockSpec((_D, _OUT), lambda i: (0, 0)),
    pl.BlockSpec((1, _OUT), lambda i: (0, 0)),
    pl.BlockSpec((_OUT, _OUT), lambda i: (0, 0)),
    pl.BlockSpec((1, _OUT), lambda i: (0, 0)),
    pl.BlockSpec((_OUT, _DA), lambda i: (0, 0)),
    pl.BlockSpec((1, _DA), lambda i: (0, 0)),
    pl.BlockSpec((_DA, 1), lambda i: (0, 0)),
]


def _tc_mid(h, agg, w1, b1, w2, b2, aw, ab, aq):

    def body(h_ref, agg_ref, w1_ref, b1_ref, w2_ref, b2_ref,
             aw_ref, ab_ref, aq_ref, hst_ref, s_ref):
        i = pl.program_id(0)

        @pl.when(i == 0)
        def _():
            s_ref[0] = 0.0
            s_ref[1] = 0.0

        hb = h_ref[...]
        for r in range(_R):
            x2 = _mlp(hb + agg_ref[r], w1_ref, b1_ref, w2_ref, b2_ref)
            hst_ref[r] = x2
            t = jnp.tanh(
                jnp.dot(x2, aw_ref[...], preferred_element_type=jnp.float32)
                + ab_ref[...])
            s_ref[r] += jnp.sum(
                jnp.dot(t, aq_ref[...], preferred_element_type=jnp.float32))

    return pl.pallas_call(
        body,
        grid=(_NB,),
        in_specs=[
            pl.BlockSpec((_B, _D), lambda i: (i, 0)),
            pl.BlockSpec((_R, _B, _OUT), lambda i: (0, i, 0)),
        ] + _W_SPECS,
        out_specs=[
            pl.BlockSpec((_R, _B, _OUT), lambda i: (0, i, 0)),
            pl.BlockSpec(memory_space=pltpu.SMEM),
        ],
        out_shape=[
            jax.ShapeDtypeStruct((_R, _N, _OUT), jnp.float32),
            jax.ShapeDtypeStruct((2,), jnp.float32),
        ],
    )(h, agg, w1, b1.reshape(1, _OUT), w2, b2.reshape(1, _OUT),
      aw, ab.reshape(1, _DA), aq.reshape(_DA, 1))


def _betas(s_ref):
    s0 = s_ref[0] / _N
    s1 = s_ref[1] / _N
    m = jnp.maximum(s0, s1)
    e0 = jnp.exp(s0 - m)
    e1 = jnp.exp(s1 - m)
    b0 = e0 / (e0 + e1)
    return b0, 1.0 - b0


def _tc_combine(hst, ssum):

    def body(s_ref, hst_ref, out_ref):
        b0, b1 = _betas(s_ref)
        out_ref[...] = b0 * hst_ref[0] + b1 * hst_ref[1]

    return pl.pallas_call(
        body,
        grid=(_NB,),
        in_specs=[
            pl.BlockSpec(memory_space=pltpu.SMEM),
            pl.BlockSpec((_R, _B, _OUT), lambda i: (0, i, 0)),
        ],
        out_specs=pl.BlockSpec((_B, _OUT), lambda i: (i, 0)),
        out_shape=jax.ShapeDtypeStruct((_N, _OUT), jnp.float32),
    )(ssum, hst)


def _tc_final(h, agg, w1, b1, w2, b2, aw, ab, aq):

    def body(h_ref, agg_ref, w1_ref, b1_ref, w2_ref, b2_ref,
             aw_ref, ab_ref, aq_ref, out_ref, s_scr, cs_scr):
        i = pl.program_id(0)

        @pl.when(i == 0)
        def _():
            s_scr[0] = 0.0
            s_scr[1] = 0.0
            cs_scr[...] = jnp.zeros_like(cs_scr)

        hb = h_ref[...]
        for r in range(_R):
            x2 = _mlp(hb + agg_ref[r], w1_ref, b1_ref, w2_ref, b2_ref)
            cs_scr[r] += jnp.sum(x2, axis=0, keepdims=True)
            t = jnp.tanh(
                jnp.dot(x2, aw_ref[...], preferred_element_type=jnp.float32)
                + ab_ref[...])
            s_scr[r] += jnp.sum(
                jnp.dot(t, aq_ref[...], preferred_element_type=jnp.float32))

        @pl.when(i == _NB - 1)
        def _():
            b0, b1 = _betas(s_scr)
            out_ref[...] = b0 * cs_scr[0] + b1 * cs_scr[1]

    return pl.pallas_call(
        body,
        grid=(_NB,),
        in_specs=[
            pl.BlockSpec((_B, _OUT), lambda i: (i, 0)),
            pl.BlockSpec((_R, _B, _OUT), lambda i: (0, i, 0)),
        ] + _W_SPECS,
        out_specs=pl.BlockSpec((1, _OUT), lambda i: (0, 0)),
        out_shape=jax.ShapeDtypeStruct((1, _OUT), jnp.float32),
        scratch_shapes=[
            pltpu.SMEM((2,), jnp.float32),
            pltpu.VMEM((_R, 1, _OUT), jnp.float32),
        ],
    )(h, agg, w1, b1.reshape(1, _OUT), w2, b2.reshape(1, _OUT),
      aw, ab.reshape(1, _DA), aq.reshape(_DA, 1))


def kernel(feat, edge_index, l0_w1, l0_b1, l0_w2, l0_b2, l0_aw, l0_ab, l0_aq,
           l1_w1, l1_b1, l1_w2, l1_b2, l1_aw, l1_ab, l1_aq):
    ei32 = edge_index.astype(jnp.int32)
    srcs = jnp.pad(ei32[:, 0].reshape(_R, _NT, _EPT),
                   ((0, 0), (0, 0), (0, _EPTP - _EPT)))
    dsts = jnp.pad(ei32[:, 1].reshape(_R, _NT, _EPT),
                   ((0, 0), (0, 0), (0, _EPTP - _EPT)),
                   constant_values=_TRASH)
    ei = jnp.stack([srcs, dsts], axis=1).reshape(_R, 2, _NT, _NCH, _CH)
    zeros = jnp.zeros((_NPAD, _OUT), jnp.float32)

    agg0 = _sc_scatter(feat, ei, zeros)
    hst0, s0 = _tc_mid(feat, agg0, l0_w1, l0_b1, l0_w2, l0_b2,
                       l0_aw, l0_ab, l0_aq)
    h1 = _tc_combine(hst0, s0)

    agg1 = _sc_scatter(h1, ei, zeros)
    out = _tc_final(h1, agg1, l1_w1, l1_b1, l1_w2, l1_b2,
                    l1_aw, l1_ab, l1_aq)
    return out.reshape(_OUT)

# --- scband reference (transcript-rebuilt; emitter-appended) ---
"""Pipeline reference for scband-mux-gnngraph-10239202033923 (READ-ONLY COPY).

The authoritative reference and input builder live on the scoring server;
editing this copy changes nothing except your own understanding.
"""

import jax, jax.numpy as jnp
import numpy as np

N = 10000
R = 2
E = 160000
D = 128
OUT = 128
DA = 64


def setup_inputs(seed: int = 0) -> dict:
    key = jax.random.key(seed)
    ks = jax.random.split(key, 20)
    inp = {}
    inp["feat"] = jax.random.normal(ks[0], (N, D), dtype=jnp.float32)
    inp["edge_index"] = jax.random.randint(ks[1], (R, 2, E), 0, N)
    # Layer 0 params (GIN apply_func: Linear(D,OUT) -> ReLU -> Linear(OUT,OUT) -> ReLU; shared across relations)
    inp["l0_w1"] = 0.05 * jax.random.normal(ks[2], (D, OUT), dtype=jnp.float32)
    inp["l0_b1"] = jnp.zeros((OUT,), dtype=jnp.float32)
    inp["l0_w2"] = 0.05 * jax.random.normal(ks[3], (OUT, OUT), dtype=jnp.float32)
    inp["l0_b2"] = jnp.zeros((OUT,), dtype=jnp.float32)
    # Layer 0 semantic attention (HAN-style): tanh(h @ aw + ab) @ aq, mean over nodes, softmax over relations
    inp["l0_aw"] = 0.05 * jax.random.normal(ks[4], (OUT, DA), dtype=jnp.float32)
    inp["l0_ab"] = jnp.zeros((DA,), dtype=jnp.float32)
    inp["l0_aq"] = 0.05 * jax.random.normal(ks[5], (DA,), dtype=jnp.float32)
    # Layer 1 params
    inp["l1_w1"] = 0.05 * jax.random.normal(ks[6], (OUT, OUT), dtype=jnp.float32)
    inp["l1_b1"] = jnp.zeros((OUT,), dtype=jnp.float32)
    inp["l1_w2"] = 0.05 * jax.random.normal(ks[7], (OUT, OUT), dtype=jnp.float32)
    inp["l1_b2"] = jnp.zeros((OUT,), dtype=jnp.float32)
    inp["l1_aw"] = 0.05 * jax.random.normal(ks[8], (OUT, DA), dtype=jnp.float32)
    inp["l1_ab"] = jnp.zeros((DA,), dtype=jnp.float32)
    inp["l1_aq"] = 0.05 * jax.random.normal(ks[9], (DA,), dtype=jnp.float32)
    return inp


def _mux_layer(h, edge_index, w1, b1, w2, b2, aw, ab, aq):
    hs = []
    for r in range(R):
        src = edge_index[r, 0]
        dst = edge_index[r, 1]
        # GIN with sum aggregator, eps=0: apply_func(feat + sum_{src->dst} feat[src])
        agg = jnp.zeros(h.shape, h.dtype).at[dst].add(h[src])
        x = h + agg
        x = jax.nn.relu(x @ w1 + b1)
        x = jax.nn.relu(x @ w2 + b2)
        hs.append(x)
    hst = jnp.stack(hs, axis=0)  # [R, N, OUT]
    s = jnp.tanh(hst @ aw + ab) @ aq  # [R, N]
    beta = jax.nn.softmax(jnp.mean(s, axis=1))  # [R]
    return jnp.sum(beta[:, None, None] * hst, axis=0)  # [N, OUT]


def reference(feat, edge_index, l0_w1, l0_b1, l0_w2, l0_b2, l0_aw, l0_ab, l0_aq,
              l1_w1, l1_b1, l1_w2, l1_b2, l1_aw, l1_ab, l1_aq):
    h = _mux_layer(feat, edge_index, l0_w1, l0_b1, l0_w2, l0_b2, l0_aw, l0_ab, l0_aq)
    h = _mux_layer(h, edge_index, l1_w1, l1_b1, l1_w2, l1_b2, l1_aw, l1_ab, l1_aq)
    # SumPooling readout over the single graph
    return jnp.sum(h, axis=0)  # [OUT]

if __name__ == "__main__":
    import jax
    _d = setup_inputs()
    print(jax.jit(kernel)(*tuple(_d.values())))

</pallas_src>

<mosaic_0001>
#map = affine_map<(d0, d1) -> (0, 0)>
#map1 = affine_map<(d0, d1) -> (0, 0, 0, 0, 0)>
#map2 = affine_map<(d0, d1) -> (0, 0, 0)>
module attributes {stable_mosaic.version = 14 : i64} {
  func.func @k(%arg0: i32, %arg1: i32, %arg2: memref<10000x128xf32, #tpu.memory_space<hbm>>, %arg3: memref<2x2x16x80x128xi32, #tpu.memory_space<hbm>>, %arg4: memref<10240x128xf32, #tpu.memory_space<hbm>>, %arg5: memref<2x10240x128xf32, #tpu.memory_space<hbm>>, %arg6: memref<40x128xi32, #tpu.memory_space<vmem>>, %arg7: memref<40x128xi32, #tpu.memory_space<vmem>>, %arg8: memref<2x128x128xf32, #tpu.memory_space<vmem>>, %arg9: memref<10240x128xf32, #tpu.memory_space<vmem_shared>>, %arg10: memref<!tpu.dma_semaphore, #tpu.memory_space<semaphore_mem>>, %arg11: memref<!tpu.dma_semaphore, #tpu.memory_space<semaphore_mem>>) attributes {dimension_semantics = [#tpu.dimension_semantics<core_parallel>, #tpu.dimension_semantics<subcore_parallel>], iteration_bounds = array<i64: 2, 16>, scalar_prefetch = 0 : i64, scratch_operands = 6 : i64, tpu.core_type = #tpu.core_type<sc_vector_subcore>, window_params = [{transform_indices = #map}, {transform_indices = #map1}, {transform_indices = #map}, {transform_indices = #map2}]} {
    %run_scoped3A = arith.constant 0 : i32
    "tpu.region"() ({
      %run_scoped3A_63 = tpu.sem_alloc : memref<!tpu.dma_semaphore, #tpu.memory_space<semaphore_mem>>
      %dma_start3A_64 = arith.constant 0 : i32
      %dma_start3A_65 = arith.constant 0 : i32
      %dma_start3A_66 = tpu.memref_slice %arg3[%arg0, %run_scoped3A, %arg1, %dma_start3A_64, %dma_start3A_65] : memref<2x2x16x80x128xi32, #tpu.memory_space<hbm>> -> memref<1x1x1x40x128xi32, #tpu.memory_space<hbm>>
      %dma_start3A_67 = tpu.memref_squeeze %dma_start3A_66 : memref<1x1x1x40x128xi32, #tpu.memory_space<hbm>> -> memref<40x128xi32, #tpu.memory_space<hbm>>
      %dma_start3A_68 = arith.constant 0 : i32
      %dma_start3A_69 = arith.constant 0 : i32
      %dma_start3A_70 = tpu.memref_slice %arg3[%arg0, %run_scoped3A, %arg1, %dma_start3A_68, %dma_start3A_69] : memref<2x2x16x80x128xi32, #tpu.memory_space<hbm>> -> memref<1x1x1x40x128xi32, #tpu.memory_space<hbm>>
      %dma_start3A_71 = tpu.memref_squeeze %dma_start3A_70 : memref<1x1x1x40x128xi32, #tpu.memory_space<hbm>> -> memref<40x128xi32, #tpu.memory_space<hbm>>
      tpu.enqueue_dma source(%dma_start3A_71 : memref<40x128xi32, #tpu.memory_space<hbm>>) target(%arg6 : memref<40x128xi32, #tpu.memory_space<vmem>>) target_semaphore(%run_scoped3A_63 : memref<!tpu.dma_semaphore, #tpu.memory_space<semaphore_mem>>)
      %dma_wait3A = arith.constant 0 : i32
      %dma_wait3A_72 = arith.constant 0 : i32
      %dma_wait3A_73 = tpu.memref_slice %arg3[%arg0, %run_scoped3A, %arg1, %dma_wait3A, %dma_wait3A_72] : memref<2x2x16x80x128xi32, #tpu.memory_space<hbm>> -> memref<1x1x1x40x128xi32, #tpu.memory_space<hbm>>
      %dma_wait3A_74 = tpu.memref_squeeze %dma_wait3A_73 : memref<1x1x1x40x128xi32, #tpu.memory_space<hbm>> -> memref<40x128xi32, #tpu.memory_space<hbm>>
      %dma_wait3A_75 = arith.constant 0 : i32
      %dma_wait3A_76 = arith.constant 0 : i32
      %dma_wait3A_77 = tpu.memref_slice %arg3[%arg0, %run_scoped3A, %arg1, %dma_wait3A_75, %dma_wait3A_76] : memref<2x2x16x80x128xi32, #tpu.memory_space<hbm>> -> memref<1x1x1x40x128xi32, #tpu.memory_space<hbm>>
      %dma_wait3A_78 = tpu.memref_squeeze %dma_wait3A_77 : memref<1x1x1x40x128xi32, #tpu.memory_space<hbm>> -> memref<40x128xi32, #tpu.memory_space<hbm>>
      tpu.wait_dma2 semaphore(%run_scoped3A_63 : memref<!tpu.dma_semaphore, #tpu.memory_space<semaphore_mem>>) src(%dma_wait3A_78 : memref<40x128xi32, #tpu.memory_space<hbm>>) dst(%arg6 : memref<40x128xi32, #tpu.memory_space<vmem>>)
      tpu.yield
    }) : () -> ()
    %run_scoped3A_0 = arith.constant 1 : i32
    "tpu.region"() ({
      %run_scoped3A_63 = tpu.sem_alloc : memref<!tpu.dma_semaphore, #tpu.memory_space<semaphore_mem>>
      %dma_start3A_64 = arith.constant 0 : i32
      %dma_start3A_65 = arith.constant 0 : i32
      %dma_start3A_66 = tpu.memref_slice %arg3[%arg0, %run_scoped3A_0, %arg1, %dma_start3A_64, %dma_start3A_65] : memref<2x2x16x80x128xi32, #tpu.memory_space<hbm>> -> memref<1x1x1x40x128xi32, #tpu.memory_space<hbm>>
      %dma_start3A_67 = tpu.memref_squeeze %dma_start3A_66 : memref<1x1x1x40x128xi32, #tpu.memory_space<hbm>> -> memref<40x128xi32, #tpu.memory_space<hbm>>
      %dma_start3A_68 = arith.constant 0 : i32
      %dma_start3A_69 = arith.constant 0 : i32
      %dma_start3A_70 = tpu.memref_slice %arg3[%arg0, %run_scoped3A_0, %arg1, %dma_start3A_68, %dma_start3A_69] : memref<2x2x16x80x128xi32, #tpu.memory_space<hbm>> -> memref<1x1x1x40x128xi32, #tpu.memory_space<hbm>>
      %dma_start3A_71 = tpu.memref_squeeze %dma_start3A_70 : memref<1x1x1x40x128xi32, #tpu.memory_space<hbm>> -> memref<40x128xi32, #tpu.memory_space<hbm>>
      tpu.enqueue_dma source(%dma_start3A_71 : memref<40x128xi32, #tpu.memory_space<hbm>>) target(%arg7 : memref<40x128xi32, #tpu.memory_space<vmem>>) target_semaphore(%run_scoped3A_63 : memref<!tpu.dma_semaphore, #tpu.memory_space<semaphore_mem>>)
      %dma_wait3A = arith.constant 0 : i32
      %dma_wait3A_72 = arith.constant 0 : i32
      %dma_wait3A_73 = tpu.memref_slice %arg3[%arg0, %run_scoped3A_0, %arg1, %dma_wait3A, %dma_wait3A_72] : memref<2x2x16x80x128xi32, #tpu.memory_space<hbm>> -> memref<1x1x1x40x128xi32, #tpu.memory_space<hbm>>
      %dma_wait3A_74 = tpu.memref_squeeze %dma_wait3A_73 : memref<1x1x1x40x128xi32, #tpu.memory_space<hbm>> -> memref<40x128xi32, #tpu.memory_space<hbm>>
      %dma_wait3A_75 = arith.constant 0 : i32
      %dma_wait3A_76 = arith.constant 0 : i32
      %dma_wait3A_77 = tpu.memref_slice %arg3[%arg0, %run_scoped3A_0, %arg1, %dma_wait3A_75, %dma_wait3A_76] : memref<2x2x16x80x128xi32, #tpu.memory_space<hbm>> -> memref<1x1x1x40x128xi32, #tpu.memory_space<hbm>>
      %dma_wait3A_78 = tpu.memref_squeeze %dma_wait3A_77 : memref<1x1x1x40x128xi32, #tpu.memory_space<hbm>> -> memref<40x128xi32, #tpu.memory_space<hbm>>
      tpu.wait_dma2 semaphore(%run_scoped3A_63 : memref<!tpu.dma_semaphore, #tpu.memory_space<semaphore_mem>>) src(%dma_wait3A_78 : memref<40x128xi32, #tpu.memory_space<hbm>>) dst(%arg7 : memref<40x128xi32, #tpu.memory_space<vmem>>)
      tpu.yield
    }) : () -> ()
    %dma_start3A = arith.constant 0 : i32
    %dma_start3A_1 = arith.constant 0 : i32
    %dma_start3A_2 = arith.constant 0 : i32
    %dma_start3A_3 = arith.constant 0 : i32
    %dma_start3A_4 = tpu.memref_slice %arg8[%dma_start3A_1, %dma_start3A_2, %dma_start3A_3] : memref<2x128x128xf32, #tpu.memory_space<vmem>> -> memref<1x128x128xf32, #tpu.memory_space<vmem>>
    %dma_start3A_5 = tpu.memref_squeeze %dma_start3A_4 : memref<1x128x128xf32, #tpu.memory_space<vmem>> -> memref<128x128xf32, #tpu.memory_space<vmem>>
    %dma_start3A_6 = arith.constant 0 : i32
    %dma_start3A_7 = tpu.memref_slice %arg6[%dma_start3A, %dma_start3A_6] : memref<40x128xi32, #tpu.memory_space<vmem>> -> memref<1x128xi32, #tpu.memory_space<vmem>>
    %dma_start3A_8 = tpu.memref_squeeze %dma_start3A_7 : memref<1x128xi32, #tpu.memory_space<vmem>> -> memref<128xi32, #tpu.memory_space<vmem>>
    %dma_start3A_9 = arith.constant 0 : i32
    %dma_start3A_10 = arith.constant 0 : i32
    %dma_start3A_11 = tpu.memref_slice %arg2[%dma_start3A_9, %dma_start3A_10] : memref<10000x128xf32, #tpu.memory_space<hbm>> -> memref<10000x128xf32, #tpu.memory_space<hbm>>
    tpu.enqueue_indirect_dma source(%dma_start3A_11 : memref<10000x128xf32, #tpu.memory_space<hbm>>) target(%dma_start3A_5 : memref<128x128xf32, #tpu.memory_space<vmem>>) offsets(%dma_start3A_8 : memref<128xi32, #tpu.memory_space<vmem>>) semaphore(%arg10 : memref<!tpu.dma_semaphore, #tpu.memory_space<semaphore_mem>>)
    %dma_start3A_12 = arith.constant 1 : i32
    %dma_start3A_13 = arith.constant 1 : i32
    %dma_start3A_14 = arith.constant 0 : i32
    %dma_start3A_15 = arith.constant 0 : i32
    %dma_start3A_16 = tpu.memref_slice %arg8[%dma_start3A_13, %dma_start3A_14, %dma_start3A_15] : memref<2x128x128xf32, #tpu.memory_space<vmem>> -> memref<1x128x128xf32, #tpu.memory_space<vmem>>
    %dma_start3A_17 = tpu.memref_squeeze %dma_start3A_16 : memref<1x128x128xf32, #tpu.memory_space<vmem>> -> memref<128x128xf32, #tpu.memory_space<vmem>>
    %dma_start3A_18 = arith.constant 0 : i32
    %dma_start3A_19 = tpu.memref_slice %arg6[%dma_start3A_12, %dma_start3A_18] : memref<40x128xi32, #tpu.memory_space<vmem>> -> memref<1x128xi32, #tpu.memory_space<vmem>>
    %dma_start3A_20 = tpu.memref_squeeze %dma_start3A_19 : memref<1x128xi32, #tpu.memory_space<vmem>> -> memref<128xi32, #tpu.memory_space<vmem>>
    %dma_start3A_21 = arith.constant 0 : i32
    %dma_start3A_22 = arith.constant 0 : i32
    %dma_start3A_23 = tpu.memref_slice %arg2[%dma_start3A_21, %dma_start3A_22] : memref<10000x128xf32, #tpu.memory_space<hbm>> -> memref<10000x128xf32, #tpu.memory_space<hbm>>
    tpu.enqueue_indirect_dma source(%dma_start3A_23 : memref<10000x128xf32, #tpu.memory_space<hbm>>) target(%dma_start3A_17 : memref<128x128xf32, #tpu.memory_space<vmem>>) offsets(%dma_start3A_20 : memref<128xi32, #tpu.memory_space<vmem>>) semaphore(%arg11 : memref<!tpu.dma_semaphore, #tpu.memory_space<semaphore_mem>>)
    %mul3A = arith.constant 640 : i32
    %mul3A_24 = arith.muli %arg1, %mul3A : i32
    "tpu.region"() ({
      %run_scoped3A_63 = tpu.sem_alloc : memref<!tpu.dma_semaphore, #tpu.memory_space<semaphore_mem>>
      %dma_start3A_64 = arith.constant 0 : i32
      %dma_start3A_65 = tpu.memref_slice %arg9[%mul3A_24, %dma_start3A_64] : memref<10240x128xf32, #tpu.memory_space<vmem_shared>> -> memref<640x128xf32, #tpu.memory_space<vmem_shared>>
      %dma_start3A_66 = arith.constant 0 : i32
      %dma_start3A_67 = tpu.memref_slice %arg4[%mul3A_24, %dma_start3A_66] : memref<10240x128xf32, #tpu.memory_space<hbm>> -> memref<640x128xf32, #tpu.memory_space<hbm>>
      tpu.enqueue_dma source(%dma_start3A_67 : memref<640x128xf32, #tpu.memory_space<hbm>>) target(%dma_start3A_65 : memref<640x128xf32, #tpu.memory_space<vmem_shared>>) target_semaphore(%run_scoped3A_63 : memref<!tpu.dma_semaphore, #tpu.memory_space<semaphore_mem>>)
      %dma_wait3A = arith.constant 0 : i32
      %dma_wait3A_68 = tpu.memref_slice %arg9[%mul3A_24, %dma_wait3A] : memref<10240x128xf32, #tpu.memory_space<vmem_shared>> -> memref<640x128xf32, #tpu.memory_space<vmem_shared>>
      %dma_wait3A_69 = arith.constant 0 : i32
      %dma_wait3A_70 = tpu.memref_slice %arg4[%mul3A_24, %dma_wait3A_69] : memref<10240x128xf32, #tpu.memory_space<hbm>> -> memref<640x128xf32, #tpu.memory_space<hbm>>
      tpu.wait_dma2 semaphore(%run_scoped3A_63 : memref<!tpu.dma_semaphore, #tpu.memory_space<semaphore_mem>>) src(%dma_wait3A_70 : memref<640x128xf32, #tpu.memory_space<hbm>>) dst(%dma_wait3A_68 : memref<640x128xf32, #tpu.memory_space<vmem_shared>>)
      tpu.yield
    }) : () -> ()
    %barrier3A = arith.constant 0 : index
    tpu.barrier barrier_id(%barrier3A)
    %scan3A = arith.constant 0 : i32
    %scan3A_25 = arith.constant 0 : i32
    %scan3A_26 = arith.constant 20 : i32
    %scan3A_27 = arith.addi %scan3A_25, %scan3A_26 : i32
    %scan3A_28 = arith.constant 1 : i32
    scf.for %scan3A_63 = %scan3A_25 to %scan3A_27 step %scan3A_28  : i32 {
      %mul3A_64 = arith.constant 2 : i32
      %mul3A_65 = arith.muli %scan3A_63, %mul3A_64 : i32
      %dma_wait3A = arith.constant 0 : i32
      %dma_wait3A_66 = arith.constant 0 : i32
      %dma_wait3A_67 = arith.constant 0 : i32
      %dma_wait3A_68 = tpu.memref_slice %arg8[%dma_wait3A, %dma_wait3A_66, %dma_wait3A_67] : memref<2x128x128xf32, #tpu.memory_space<vmem>> -> memref<1x128x128xf32, #tpu.memory_space<vmem>>
      %dma_wait3A_69 = tpu.memref_squeeze %dma_wait3A_68 : memref<1x128x128xf32, #tpu.memory_space<vmem>> -> memref<128x128xf32, #tpu.memory_space<vmem>>
      %dma_wait3A_70 = arith.constant 0 : i32
      %dma_wait3A_71 = tpu.memref_slice %arg6[%mul3A_65, %dma_wait3A_70] : memref<40x128xi32, #tpu.memory_space<vmem>> -> memref<1x128xi32, #tpu.memory_space<vmem>>
      %dma_wait3A_72 = tpu.memref_squeeze %dma_wait3A_71 : memref<1x128xi32, #tpu.memory_space<vmem>> -> memref<128xi32, #tpu.memory_space<vmem>>
      %dma_wait3A_73 = arith.constant 0 : i32
      %dma_wait3A_74 = arith.constant 0 : i32
      %dma_wait3A_75 = tpu.memref_slice %arg2[%dma_wait3A_73, %dma_wait3A_74] : memref<10000x128xf32, #tpu.memory_space<hbm>> -> memref<10000x128xf32, #tpu.memory_space<hbm>>
      tpu.wait_indirect_dma semaphore(%arg10 : memref<!tpu.dma_semaphore, #tpu.memory_space<semaphore_mem>>) src(%dma_wait3A_75 : memref<10000x128xf32, #tpu.memory_space<hbm>>) dst(%dma_wait3A_69 : memref<128x128xf32, #tpu.memory_space<vmem>>)
      %run_scoped3A_76 = arith.constant 0 : i32
      "tpu.region"() ({
        %run_scoped3A_103 = tpu.sem_alloc : memref<!tpu.dma_semaphore, #tpu.memory_space<semaphore_mem>>
        %dma_start3A_104 = arith.constant 0 : i32
        %dma_start3A_105 = arith.constant 0 : i32
        %dma_start3A_106 = tpu.memref_slice %arg8[%run_scoped3A_76, %dma_start3A_104, %dma_start3A_105] : memref<2x128x128xf32, #tpu.memory_space<vmem>> -> memref<1x128x128xf32, #tpu.memory_space<vmem>>
        %dma_start3A_107 = tpu.memref_squeeze %dma_start3A_106 : memref<1x128x128xf32, #tpu.memory_space<vmem>> -> memref<128x128xf32, #tpu.memory_space<vmem>>
        %dma_start3A_108 = arith.constant 0 : i32
        %dma_start3A_109 = tpu.memref_slice %arg7[%mul3A_65, %dma_start3A_108] : memref<40x128xi32, #tpu.memory_space<vmem>> -> memref<1x128xi32, #tpu.memory_space<vmem>>
        %dma_start3A_110 = tpu.memref_squeeze %dma_start3A_109 : memref<1x128xi32, #tpu.memory_space<vmem>> -> memref<128xi32, #tpu.memory_space<vmem>>
        %dma_start3A_111 = arith.constant 0 : i32
        %dma_start3A_112 = arith.constant 0 : i32
        %dma_start3A_113 = tpu.memref_slice %arg9[%dma_start3A_111, %dma_start3A_112] : memref<10240x128xf32, #tpu.memory_space<vmem_shared>> -> memref<10240x128xf32, #tpu.memory_space<vmem_shared>>
        tpu.enqueue_indirect_dma source(%dma_start3A_107 : memref<128x128xf32, #tpu.memory_space<vmem>>) target(%dma_start3A_113 : memref<10240x128xf32, #tpu.memory_space<vmem_shared>>) offsets(%dma_start3A_110 : memref<128xi32, #tpu.memory_space<vmem>>) semaphore(%run_scoped3A_103 : memref<!tpu.dma_semaphore, #tpu.memory_space<semaphore_mem>>) {add = true}
        %dma_wait3A_114 = arith.constant 0 : i32
        %dma_wait3A_115 = arith.constant 0 : i32
        %dma_wait3A_116 = tpu.memref_slice %arg8[%run_scoped3A_76, %dma_wait3A_114, %dma_wait3A_115] : memref<2x128x128xf32, #tpu.memory_space<vmem>> -> memref<1x128x128xf32, #tpu.memory_space<vmem>>
        %dma_wait3A_117 = tpu.memref_squeeze %dma_wait3A_116 : memref<1x128x128xf32, #tpu.memory_space<vmem>> -> memref<128x128xf32, #tpu.memory_space<vmem>>
        %dma_wait3A_118 = arith.constant 0 : i32
        %dma_wait3A_119 = tpu.memref_slice %arg7[%mul3A_65, %dma_wait3A_118] : memref<40x128xi32, #tpu.memory_space<vmem>> -> memref<1x128xi32, #tpu.memory_space<vmem>>
        %dma_wait3A_120 = tpu.memref_squeeze %dma_wait3A_119 : memref<1x128xi32, #tpu.memory_space<vmem>> -> memref<128xi32, #tpu.memory_space<vmem>>
        %dma_wait3A_121 = arith.constant 0 : i32
        %dma_wait3A_122 = arith.constant 0 : i32
        %dma_wait3A_123 = tpu.memref_slice %arg9[%dma_wait3A_121, %dma_wait3A_122] : memref<10240x128xf32, #tpu.memory_space<vmem_shared>> -> memref<10240x128xf32, #tpu.memory_space<vmem_shared>>
        tpu.wait_indirect_dma semaphore(%run_scoped3A_103 : memref<!tpu.dma_semaphore, #tpu.memory_space<semaphore_mem>>) src(%dma_wait3A_117 : memref<128x128xf32, #tpu.memory_space<vmem>>) dst(%dma_wait3A_123 : memref<10240x128xf32, #tpu.memory_space<vmem_shared>>)
        tpu.yield
      }) : () -> ()
      %add3A = arith.constant 2 : i32
      %add3A_77 = arith.addi %mul3A_65, %add3A : i32
      %lt3A = arith.constant 40 : i32
      %lt3A_78 = arith.cmpi slt, %add3A_77, %lt3A : i32
      %convert_element_type3A = arith.extui %lt3A_78 : i1 to i32
      %cond3A = arith.constant 0 : i32
      %cond3A_79 = arith.cmpi ne, %convert_element_type3A, %cond3A : i32
      scf.if %cond3A_79 {
        %add3A_103 = arith.constant 2 : i32
        %add3A_104 = arith.addi %mul3A_65, %add3A_103 : i32
        %dma_start3A_105 = arith.constant 0 : i32
        %dma_start3A_106 = arith.constant 0 : i32
        %dma_start3A_107 = arith.constant 0 : i32
        %dma_start3A_108 = tpu.memref_slice %arg8[%dma_start3A_105, %dma_start3A_106, %dma_start3A_107] : memref<2x128x128xf32, #tpu.memory_space<vmem>> -> memref<1x128x128xf32, #tpu.memory_space<vmem>>
        %dma_start3A_109 = tpu.memref_squeeze %dma_start3A_108 : memref<1x128x128xf32, #tpu.memory_space<vmem>> -> memref<128x128xf32, #tpu.memory_space<vmem>>
        %dma_start3A_110 = arith.constant 0 : i32
        %dma_start3A_111 = tpu.memref_slice %arg6[%add3A_104, %dma_start3A_110] : memref<40x128xi32, #tpu.memory_space<vmem>> -> memref<1x128xi32, #tpu.memory_space<vmem>>
        %dma_start3A_112 = tpu.memref_squeeze %dma_start3A_111 : memref<1x128xi32, #tpu.memory_space<vmem>> -> memref<128xi32, #tpu.memory_space<vmem>>
        %dma_start3A_113 = arith.constant 0 : i32
        %dma_start3A_114 = arith.constant 0 : i32
        %dma_start3A_115 = tpu.memref_slice %arg2[%dma_start3A_113, %dma_start3A_114] : memref<10000x128xf32, #tpu.memory_space<hbm>> -> memref<10000x128xf32, #tpu.memory_space<hbm>>
        tpu.enqueue_indirect_dma source(%dma_start3A_115 : memref<10000x128xf32, #tpu.memory_space<hbm>>) target(%dma_start3A_109 : memref<128x128xf32, #tpu.memory_space<vmem>>) offsets(%dma_start3A_112 : memref<128xi32, #tpu.memory_space<vmem>>) semaphore(%arg10 : memref<!tpu.dma_semaphore, #tpu.memory_space<semaphore_mem>>)
      } else {
      }
      %mul3A_80 = arith.constant 2 : i32
      %mul3A_81 = arith.muli %scan3A_63, %mul3A_80 : i32
      %add3A_82 = arith.constant 1 : i32
      %add3A_83 = arith.addi %mul3A_81, %add3A_82 : i32
      %dma_wait3A_84 = arith.constant 1 : i32
      %dma_wait3A_85 = arith.constant 0 : i32
      %dma_wait3A_86 = arith.constant 0 : i32
      %dma_wait3A_87 = tpu.memref_slice %arg8[%dma_wait3A_84, %dma_wait3A_85, %dma_wait3A_86] : memref<2x128x128xf32, #tpu.memory_space<vmem>> -> memref<1x128x128xf32, #tpu.memory_space<vmem>>
      %dma_wait3A_88 = tpu.memref_squeeze %dma_wait3A_87 : memref<1x128x128xf32, #tpu.memory_space<vmem>> -> memref<128x128xf32, #tpu.memory_space<vmem>>
      %dma_wait3A_89 = arith.constant 0 : i32
      %dma_wait3A_90 = tpu.memref_slice %arg6[%add3A_83, %dma_wait3A_89] : memref<40x128xi32, #tpu.memory_space<vmem>> -> memref<1x128xi32, #tpu.memory_space<vmem>>
      %dma_wait3A_91 = tpu.memref_squeeze %dma_wait3A_90 : memref<1x128xi32, #tpu.memory_space<vmem>> -> memref<128xi32, #tpu.memory_space<vmem>>
      %dma_wait3A_92 = arith.constant 0 : i32
      %dma_wait3A_93 = arith.constant 0 : i32
      %dma_wait3A_94 = tpu.memref_slice %arg2[%dma_wait3A_92, %dma_wait3A_93] : memref<10000x128xf32, #tpu.memory_space<hbm>> -> memref<10000x128xf32, #tpu.memory_space<hbm>>
      tpu.wait_indirect_dma semaphore(%arg11 : memref<!tpu.dma_semaphore, #tpu.memory_space<semaphore_mem>>) src(%dma_wait3A_94 : memref<10000x128xf32, #tpu.memory_space<hbm>>) dst(%dma_wait3A_88 : memref<128x128xf32, #tpu.memory_space<vmem>>)
      %run_scoped3A_95 = arith.constant 1 : i32
      "tpu.region"() ({
        %run_scoped3A_103 = tpu.sem_alloc : memref<!tpu.dma_semaphore, #tpu.memory_space<semaphore_mem>>
        %dma_start3A_104 = arith.constant 0 : i32
        %dma_start3A_105 = arith.constant 0 : i32
        %dma_start3A_106 = tpu.memref_slice %arg8[%run_scoped3A_95, %dma_start3A_104, %dma_start3A_105] : memref<2x128x128xf32, #tpu.memory_space<vmem>> -> memref<1x128x128xf32, #tpu.memory_space<vmem>>
        %dma_start3A_107 = tpu.memref_squeeze %dma_start3A_106 : memref<1x128x128xf32, #tpu.memory_space<vmem>> -> memref<128x128xf32, #tpu.memory_space<vmem>>
        %dma_start3A_108 = arith.constant 0 : i32
        %dma_start3A_109 = tpu.memref_slice %arg7[%add3A_83, %dma_start3A_108] : memref<40x128xi32, #tpu.memory_space<vmem>> -> memref<1x128xi32, #tpu.memory_space<vmem>>
        %dma_start3A_110 = tpu.memref_squeeze %dma_start3A_109 : memref<1x128xi32, #tpu.memory_space<vmem>> -> memref<128xi32, #tpu.memory_space<vmem>>
        %dma_start3A_111 = arith.constant 0 : i32
        %dma_start3A_112 = arith.constant 0 : i32
        %dma_start3A_113 = tpu.memref_slice %arg9[%dma_start3A_111, %dma_start3A_112] : memref<10240x128xf32, #tpu.memory_space<vmem_shared>> -> memref<10240x128xf32, #tpu.memory_space<vmem_shared>>
        tpu.enqueue_indirect_dma source(%dma_start3A_107 : memref<128x128xf32, #tpu.memory_space<vmem>>) target(%dma_start3A_113 : memref<10240x128xf32, #tpu.memory_space<vmem_shared>>) offsets(%dma_start3A_110 : memref<128xi32, #tpu.memory_space<vmem>>) semaphore(%run_scoped3A_103 : memref<!tpu.dma_semaphore, #tpu.memory_space<semaphore_mem>>) {add = true}
        %dma_wait3A_114 = arith.constant 0 : i32
        %dma_wait3A_115 = arith.constant 0 : i32
        %dma_wait3A_116 = tpu.memref_slice %arg8[%run_scoped3A_95, %dma_wait3A_114, %dma_wait3A_115] : memref<2x128x128xf32, #tpu.memory_space<vmem>> -> memref<1x128x128xf32, #tpu.memory_space<vmem>>
        %dma_wait3A_117 = tpu.memref_squeeze %dma_wait3A_116 : memref<1x128x128xf32, #tpu.memory_space<vmem>> -> memref<128x128xf32, #tpu.memory_space<vmem>>
        %dma_wait3A_118 = arith.constant 0 : i32
        %dma_wait3A_119 = tpu.memref_slice %arg7[%add3A_83, %dma_wait3A_118] : memref<40x128xi32, #tpu.memory_space<vmem>> -> memref<1x128xi32, #tpu.memory_space<vmem>>
        %dma_wait3A_120 = tpu.memref_squeeze %dma_wait3A_119 : memref<1x128xi32, #tpu.memory_space<vmem>> -> memref<128xi32, #tpu.memory_space<vmem>>
        %dma_wait3A_121 = arith.constant 0 : i32
        %dma_wait3A_122 = arith.constant 0 : i32
        %dma_wait3A_123 = tpu.memref_slice %arg9[%dma_wait3A_121, %dma_wait3A_122] : memref<10240x128xf32, #tpu.memory_space<vmem_shared>> -> memref<10240x128xf32, #tpu.memory_space<vmem_shared>>
        tpu.wait_indirect_dma semaphore(%run_scoped3A_103 : memref<!tpu.dma_semaphore, #tpu.memory_space<semaphore_mem>>) src(%dma_wait3A_117 : memref<128x128xf32, #tpu.memory_space<vmem>>) dst(%dma_wait3A_123 : memref<10240x128xf32, #tpu.memory_space<vmem_shared>>)
        tpu.yield
      }) : () -> ()
      %add3A_96 = arith.constant 2 : i32
      %add3A_97 = arith.addi %add3A_83, %add3A_96 : i32
      %lt3A_98 = arith.constant 40 : i32
      %lt3A_99 = arith.cmpi slt, %add3A_97, %lt3A_98 : i32
      %convert_element_type3A_100 = arith.extui %lt3A_99 : i1 to i32
      %cond3A_101 = arith.constant 0 : i32
      %cond3A_102 = arith.cmpi ne, %convert_element_type3A_100, %cond3A_101 : i32
      scf.if %cond3A_102 {
        %add3A_103 = arith.constant 2 : i32
        %add3A_104 = arith.addi %add3A_83, %add3A_103 : i32
        %dma_start3A_105 = arith.constant 1 : i32
        %dma_start3A_106 = arith.constant 0 : i32
        %dma_start3A_107 = arith.constant 0 : i32
        %dma_start3A_108 = tpu.memref_slice %arg8[%dma_start3A_105, %dma_start3A_106, %dma_start3A_107] : memref<2x128x128xf32, #tpu.memory_space<vmem>> -> memref<1x128x128xf32, #tpu.memory_space<vmem>>
        %dma_start3A_109 = tpu.memref_squeeze %dma_start3A_108 : memref<1x128x128xf32, #tpu.memory_space<vmem>> -> memref<128x128xf32, #tpu.memory_space<vmem>>
        %dma_start3A_110 = arith.constant 0 : i32
        %dma_start3A_111 = tpu.memref_slice %arg6[%add3A_104, %dma_start3A_110] : memref<40x128xi32, #tpu.memory_space<vmem>> -> memref<1x128xi32, #tpu.memory_space<vmem>>
        %dma_start3A_112 = tpu.memref_squeeze %dma_start3A_111 : memref<1x128xi32, #tpu.memory_space<vmem>> -> memref<128xi32, #tpu.memory_space<vmem>>
        %dma_start3A_113 = arith.constant 0 : i32
        %dma_start3A_114 = arith.constant 0 : i32
        %dma_start3A_115 = tpu.memref_slice %arg2[%dma_start3A_113, %dma_start3A_114] : memref<10000x128xf32, #tpu.memory_space<hbm>> -> memref<10000x128xf32, #tpu.memory_space<hbm>>
        tpu.enqueue_indirect_dma source(%dma_start3A_115 : memref<10000x128xf32, #tpu.memory_space<hbm>>) target(%dma_start3A_109 : memref<128x128xf32, #tpu.memory_space<vmem>>) offsets(%dma_start3A_112 : memref<128xi32, #tpu.memory_space<vmem>>) semaphore(%arg11 : memref<!tpu.dma_semaphore, #tpu.memory_space<semaphore_mem>>)
      } else {
      }
    }
    %scan3A_29 = arith.constant 20 : i32
    %run_scoped3A_30 = arith.constant 0 : i32
    "tpu.region"() ({
      %run_scoped3A_63 = tpu.sem_alloc : memref<!tpu.dma_semaphore, #tpu.memory_space<semaphore_mem>>
      %dma_start3A_64 = arith.constant 40 : i32
      %dma_start3A_65 = arith.constant 0 : i32
      %dma_start3A_66 = tpu.memref_slice %arg3[%arg0, %run_scoped3A_30, %arg1, %dma_start3A_64, %dma_start3A_65] : memref<2x2x16x80x128xi32, #tpu.memory_space<hbm>> -> memref<1x1x1x40x128xi32, #tpu.memory_space<hbm>>
      %dma_start3A_67 = tpu.memref_squeeze %dma_start3A_66 : memref<1x1x1x40x128xi32, #tpu.memory_space<hbm>> -> memref<40x128xi32, #tpu.memory_space<hbm>>
      %dma_start3A_68 = arith.constant 40 : i32
      %dma_start3A_69 = arith.constant 0 : i32
      %dma_start3A_70 = tpu.memref_slice %arg3[%arg0, %run_scoped3A_30, %arg1, %dma_start3A_68, %dma_start3A_69] : memref<2x2x16x80x128xi32, #tpu.memory_space<hbm>> -> memref<1x1x1x40x128xi32, #tpu.memory_space<hbm>>
      %dma_start3A_71 = tpu.memref_squeeze %dma_start3A_70 : memref<1x1x1x40x128xi32, #tpu.memory_space<hbm>> -> memref<40x128xi32, #tpu.memory_space<hbm>>
      tpu.enqueue_dma source(%dma_start3A_71 : memref<40x128xi32, #tpu.memory_space<hbm>>) target(%arg6 : memref<40x128xi32, #tpu.memory_space<vmem>>) target_semaphore(%run_scoped3A_63 : memref<!tpu.dma_semaphore, #tpu.memory_space<semaphore_mem>>)
      %dma_wait3A = arith.constant 40 : i32
      %dma_wait3A_72 = arith.constant 0 : i32
      %dma_wait3A_73 = tpu.memref_slice %arg3[%arg0, %run_scoped3A_30, %arg1, %dma_wait3A, %dma_wait3A_72] : memref<2x2x16x80x128xi32, #tpu.memory_space<hbm>> -> memref<1x1x1x40x128xi32, #tpu.memory_space<hbm>>
      %dma_wait3A_74 = tpu.memref_squeeze %dma_wait3A_73 : memref<1x1x1x40x128xi32, #tpu.memory_space<hbm>> -> memref<40x128xi32, #tpu.memory_space<hbm>>
      %dma_wait3A_75 = arith.constant 40 : i32
      %dma_wait3A_76 = arith.constant 0 : i32
      %dma_wait3A_77 = tpu.memref_slice %arg3[%arg0, %run_scoped3A_30, %arg1, %dma_wait3A_75, %dma_wait3A_76] : memref<2x2x16x80x128xi32, #tpu.memory_space<hbm>> -> memref<1x1x1x40x128xi32, #tpu.memory_space<hbm>>
      %dma_wait3A_78 = tpu.memref_squeeze %dma_wait3A_77 : memref<1x1x1x40x128xi32, #tpu.memory_space<hbm>> -> memref<40x128xi32, #tpu.memory_space<hbm>>
      tpu.wait_dma2 semaphore(%run_scoped3A_63 : memref<!tpu.dma_semaphore, #tpu.memory_space<semaphore_mem>>) src(%dma_wait3A_78 : memref<40x128xi32, #tpu.memory_space<hbm>>) dst(%arg6 : memref<40x128xi32, #tpu.memory_space<vmem>>)
      tpu.yield
    }) : () -> ()
    %run_scoped3A_31 = arith.constant 1 : i32
    "tpu.region"() ({
      %run_scoped3A_63 = tpu.sem_alloc : memref<!tpu.dma_semaphore, #tpu.memory_space<semaphore_mem>>
      %dma_start3A_64 = arith.constant 40 : i32
      %dma_start3A_65 = arith.constant 0 : i32
      %dma_start3A_66 = tpu.memref_slice %arg3[%arg0, %run_scoped3A_31, %arg1, %dma_start3A_64, %dma_start3A_65] : memref<2x2x16x80x128xi32, #tpu.memory_space<hbm>> -> memref<1x1x1x40x128xi32, #tpu.memory_space<hbm>>
      %dma_start3A_67 = tpu.memref_squeeze %dma_start3A_66 : memref<1x1x1x40x128xi32, #tpu.memory_space<hbm>> -> memref<40x128xi32, #tpu.memory_space<hbm>>
      %dma_start3A_68 = arith.constant 40 : i32
      %dma_start3A_69 = arith.constant 0 : i32
      %dma_start3A_70 = tpu.memref_slice %arg3[%arg0, %run_scoped3A_31, %arg1, %dma_start3A_68, %dma_start3A_69] : memref<2x2x16x80x128xi32, #tpu.memory_space<hbm>> -> memref<1x1x1x40x128xi32, #tpu.memory_space<hbm>>
      %dma_start3A_71 = tpu.memref_squeeze %dma_start3A_70 : memref<1x1x1x40x128xi32, #tpu.memory_space<hbm>> -> memref<40x128xi32, #tpu.memory_space<hbm>>
      tpu.enqueue_dma source(%dma_start3A_71 : memref<40x128xi32, #tpu.memory_space<hbm>>) target(%arg7 : memref<40x128xi32, #tpu.memory_space<vmem>>) target_semaphore(%run_scoped3A_63 : memref<!tpu.dma_semaphore, #tpu.memory_space<semaphore_mem>>)
      %dma_wait3A = arith.constant 40 : i32
      %dma_wait3A_72 = arith.constant 0 : i32
      %dma_wait3A_73 = tpu.memref_slice %arg3[%arg0, %run_scoped3A_31, %arg1, %dma_wait3A, %dma_wait3A_72] : memref<2x2x16x80x128xi32, #tpu.memory_space<hbm>> -> memref<1x1x1x40x128xi32, #tpu.memory_space<hbm>>
      %dma_wait3A_74 = tpu.memref_squeeze %dma_wait3A_73 : memref<1x1x1x40x128xi32, #tpu.memory_space<hbm>> -> memref<40x128xi32, #tpu.memory_space<hbm>>
      %dma_wait3A_75 = arith.constant 40 : i32
      %dma_wait3A_76 = arith.constant 0 : i32
      %dma_wait3A_77 = tpu.memref_slice %arg3[%arg0, %run_scoped3A_31, %arg1, %dma_wait3A_75, %dma_wait3A_76] : memref<2x2x16x80x128xi32, #tpu.memory_space<hbm>> -> memref<1x1x1x40x128xi32, #tpu.memory_space<hbm>>
      %dma_wait3A_78 = tpu.memref_squeeze %dma_wait3A_77 : memref<1x1x1x40x128xi32, #tpu.memory_space<hbm>> -> memref<40x128xi32, #tpu.memory_space<hbm>>
      tpu.wait_dma2 semaphore(%run_scoped3A_63 : memref<!tpu.dma_semaphore, #tpu.memory_space<semaphore_mem>>) src(%dma_wait3A_78 : memref<40x128xi32, #tpu.memory_space<hbm>>) dst(%arg7 : memref<40x128xi32, #tpu.memory_space<vmem>>)
      tpu.yield
    }) : () -> ()
    %dma_start3A_32 = arith.constant 0 : i32
    %dma_start3A_33 = arith.constant 0 : i32
    %dma_start3A_34 = arith.constant 0 : i32
    %dma_start3A_35 = arith.constant 0 : i32
    %dma_start3A_36 = tpu.memref_slice %arg8[%dma_start3A_33, %dma_start3A_34, %dma_start3A_35] : memref<2x128x128xf32, #tpu.memory_space<vmem>> -> memref<1x128x128xf32, #tpu.memory_space<vmem>>
    %dma_start3A_37 = tpu.memref_squeeze %dma_start3A_36 : memref<1x128x128xf32, #tpu.memory_space<vmem>> -> memref<128x128xf32, #tpu.memory_space<vmem>>
    %dma_start3A_38 = arith.constant 0 : i32
    %dma_start3A_39 = tpu.memref_slice %arg6[%dma_start3A_32, %dma_start3A_38] : memref<40x128xi32, #tpu.memory_space<vmem>> -> memref<1x128xi32, #tpu.memory_space<vmem>>
    %dma_start3A_40 = tpu.memref_squeeze %dma_start3A_39 : memref<1x128xi32, #tpu.memory_space<vmem>> -> memref<128xi32, #tpu.memory_space<vmem>>
    %dma_start3A_41 = arith.constant 0 : i32
    %dma_start3A_42 = arith.constant 0 : i32
    %dma_start3A_43 = tpu.memref_slice %arg2[%dma_start3A_41, %dma_start3A_42] : memref<10000x128xf32, #tpu.memory_space<hbm>> -> memref<10000x128xf32, #tpu.memory_space<hbm>>
    tpu.enqueue_indirect_dma source(%dma_start3A_43 : memref<10000x128xf32, #tpu.memory_space<hbm>>) target(%dma_start3A_37 : memref<128x128xf32, #tpu.memory_space<vmem>>) offsets(%dma_start3A_40 : memref<128xi32, #tpu.memory_space<vmem>>) semaphore(%arg10 : memref<!tpu.dma_semaphore, #tpu.memory_space<semaphore_mem>>)
    %dma_start3A_44 = arith.constant 1 : i32
    %dma_start3A_45 = arith.constant 1 : i32
    %dma_start3A_46 = arith.constant 0 : i32
    %dma_start3A_47 = arith.constant 0 : i32
    %dma_start3A_48 = tpu.memref_slice %arg8[%dma_start3A_45, %dma_start3A_46, %dma_start3A_47] : memref<2x128x128xf32, #tpu.memory_space<vmem>> -> memref<1x128x128xf32, #tpu.memory_space<vmem>>
    %dma_start3A_49 = tpu.memref_squeeze %dma_start3A_48 : memref<1x128x128xf32, #tpu.memory_space<vmem>> -> memref<128x128xf32, #tpu.memory_space<vmem>>
    %dma_start3A_50 = arith.constant 0 : i32
    %dma_start3A_51 = tpu.memref_slice %arg6[%dma_start3A_44, %dma_start3A_50] : memref<40x128xi32, #tpu.memory_space<vmem>> -> memref<1x128xi32, #tpu.memory_space<vmem>>
    %dma_start3A_52 = tpu.memref_squeeze %dma_start3A_51 : memref<1x128xi32, #tpu.memory_space<vmem>> -> memref<128xi32, #tpu.memory_space<vmem>>
    %dma_start3A_53 = arith.constant 0 : i32
    %dma_start3A_54 = arith.constant 0 : i32
    %dma_start3A_55 = tpu.memref_slice %arg2[%dma_start3A_53, %dma_start3A_54] : memref<10000x128xf32, #tpu.memory_space<hbm>> -> memref<10000x128xf32, #tpu.memory_space<hbm>>
    tpu.enqueue_indirect_dma source(%dma_start3A_55 : memref<10000x128xf32, #tpu.memory_space<hbm>>) target(%dma_start3A_49 : memref<128x128xf32, #tpu.memory_space<vmem>>) offsets(%dma_start3A_52 : memref<128xi32, #tpu.memory_space<vmem>>) semaphore(%arg11 : memref<!tpu.dma_semaphore, #tpu.memory_space<semaphore_mem>>)
    %scan3A_56 = arith.constant 0 : i32
    %scan3A_57 = arith.constant 0 : i32
    %scan3A_58 = arith.constant 20 : i32
    %scan3A_59 = arith.addi %scan3A_57, %scan3A_58 : i32
    %scan3A_60 = arith.constant 1 : i32
    scf.for %scan3A_63 = %scan3A_57 to %scan3A_59 step %scan3A_60  : i32 {
      %mul3A_64 = arith.constant 2 : i32
      %mul3A_65 = arith.muli %scan3A_63, %mul3A_64 : i32
      %dma_wait3A = arith.constant 0 : i32
      %dma_wait3A_66 = arith.constant 0 : i32
      %dma_wait3A_67 = arith.constant 0 : i32
      %dma_wait3A_68 = tpu.memref_slice %arg8[%dma_wait3A, %dma_wait3A_66, %dma_wait3A_67] : memref<2x128x128xf32, #tpu.memory_space<vmem>> -> memref<1x128x128xf32, #tpu.memory_space<vmem>>
      %dma_wait3A_69 = tpu.memref_squeeze %dma_wait3A_68 : memref<1x128x128xf32, #tpu.memory_space<vmem>> -> memref<128x128xf32, #tpu.memory_space<vmem>>
      %dma_wait3A_70 = arith.constant 0 : i32
      %dma_wait3A_71 = tpu.memref_slice %arg6[%mul3A_65, %dma_wait3A_70] : memref<40x128xi32, #tpu.memory_space<vmem>> -> memref<1x128xi32, #tpu.memory_space<vmem>>
      %dma_wait3A_72 = tpu.memref_squeeze %dma_wait3A_71 : memref<1x128xi32, #tpu.memory_space<vmem>> -> memref<128xi32, #tpu.memory_space<vmem>>
      %dma_wait3A_73 = arith.constant 0 : i32
      %dma_wait3A_74 = arith.constant 0 : i32
      %dma_wait3A_75 = tpu.memref_slice %arg2[%dma_wait3A_73, %dma_wait3A_74] : memref<10000x128xf32, #tpu.memory_space<hbm>> -> memref<10000x128xf32, #tpu.memory_space<hbm>>
      tpu.wait_indirect_dma semaphore(%arg10 : memref<!tpu.dma_semaphore, #tpu.memory_space<semaphore_mem>>) src(%dma_wait3A_75 : memref<10000x128xf32, #tpu.memory_space<hbm>>) dst(%dma_wait3A_69 : memref<128x128xf32, #tpu.memory_space<vmem>>)
      %run_scoped3A_76 = arith.constant 0 : i32
      "tpu.region"() ({
        %run_scoped3A_103 = tpu.sem_alloc : memref<!tpu.dma_semaphore, #tpu.memory_space<semaphore_mem>>
        %dma_start3A_104 = arith.constant 0 : i32
        %dma_start3A_105 = arith.constant 0 : i32
        %dma_start3A_106 = tpu.memref_slice %arg8[%run_scoped3A_76, %dma_start3A_104, %dma_start3A_105] : memref<2x128x128xf32, #tpu.memory_space<vmem>> -> memref<1x128x128xf32, #tpu.memory_space<vmem>>
        %dma_start3A_107 = tpu.memref_squeeze %dma_start3A_106 : memref<1x128x128xf32, #tpu.memory_space<vmem>> -> memref<128x128xf32, #tpu.memory_space<vmem>>
        %dma_start3A_108 = arith.constant 0 : i32
        %dma_start3A_109 = tpu.memref_slice %arg7[%mul3A_65, %dma_start3A_108] : memref<40x128xi32, #tpu.memory_space<vmem>> -> memref<1x128xi32, #tpu.memory_space<vmem>>
        %dma_start3A_110 = tpu.memref_squeeze %dma_start3A_109 : memref<1x128xi32, #tpu.memory_space<vmem>> -> memref<128xi32, #tpu.memory_space<vmem>>
        %dma_start3A_111 = arith.constant 0 : i32
        %dma_start3A_112 = arith.constant 0 : i32
        %dma_start3A_113 = tpu.memref_slice %arg9[%dma_start3A_111, %dma_start3A_112] : memref<10240x128xf32, #tpu.memory_space<vmem_shared>> -> memref<10240x128xf32, #tpu.memory_space<vmem_shared>>
        tpu.enqueue_indirect_dma source(%dma_start3A_107 : memref<128x128xf32, #tpu.memory_space<vmem>>) target(%dma_start3A_113 : memref<10240x128xf32, #tpu.memory_space<vmem_shared>>) offsets(%dma_start3A_110 : memref<128xi32, #tpu.memory_space<vmem>>) semaphore(%run_scoped3A_103 : memref<!tpu.dma_semaphore, #tpu.memory_space<semaphore_mem>>) {add = true}
        %dma_wait3A_114 = arith.constant 0 : i32
        %dma_wait3A_115 = arith.constant 0 : i32
        %dma_wait3A_116 = tpu.memref_slice %arg8[%run_scoped3A_76, %dma_wait3A_114, %dma_wait3A_115] : memref<2x128x128xf32, #tpu.memory_space<vmem>> -> memref<1x128x128xf32, #tpu.memory_space<vmem>>
        %dma_wait3A_117 = tpu.memref_squeeze %dma_wait3A_116 : memref<1x128x128xf32, #tpu.memory_space<vmem>> -> memref<128x128xf32, #tpu.memory_space<vmem>>
        %dma_wait3A_118 = arith.constant 0 : i32
        %dma_wait3A_119 = tpu.memref_slice %arg7[%mul3A_65, %dma_wait3A_118] : memref<40x128xi32, #tpu.memory_space<vmem>> -> memref<1x128xi32, #tpu.memory_space<vmem>>
        %dma_wait3A_120 = tpu.memref_squeeze %dma_wait3A_119 : memref<1x128xi32, #tpu.memory_space<vmem>> -> memref<128xi32, #tpu.memory_space<vmem>>
        %dma_wait3A_121 = arith.constant 0 : i32
        %dma_wait3A_122 = arith.constant 0 : i32
        %dma_wait3A_123 = tpu.memref_slice %arg9[%dma_wait3A_121, %dma_wait3A_122] : memref<10240x128xf32, #tpu.memory_space<vmem_shared>> -> memref<10240x128xf32, #tpu.memory_space<vmem_shared>>
        tpu.wait_indirect_dma semaphore(%run_scoped3A_103 : memref<!tpu.dma_semaphore, #tpu.memory_space<semaphore_mem>>) src(%dma_wait3A_117 : memref<128x128xf32, #tpu.memory_space<vmem>>) dst(%dma_wait3A_123 : memref<10240x128xf32, #tpu.memory_space<vmem_shared>>)
        tpu.yield
      }) : () -> ()
      %add3A = arith.constant 2 : i32
      %add3A_77 = arith.addi %mul3A_65, %add3A : i32
      %lt3A = arith.constant 40 : i32
      %lt3A_78 = arith.cmpi slt, %add3A_77, %lt3A : i32
      %convert_element_type3A = arith.extui %lt3A_78 : i1 to i32
      %cond3A = arith.constant 0 : i32
      %cond3A_79 = arith.cmpi ne, %convert_element_type3A, %cond3A : i32
      scf.if %cond3A_79 {
        %add3A_103 = arith.constant 2 : i32
        %add3A_104 = arith.addi %mul3A_65, %add3A_103 : i32
        %dma_start3A_105 = arith.constant 0 : i32
        %dma_start3A_106 = arith.constant 0 : i32
        %dma_start3A_107 = arith.constant 0 : i32
        %dma_start3A_108 = tpu.memref_slice %arg8[%dma_start3A_105, %dma_start3A_106, %dma_start3A_107] : memref<2x128x128xf32, #tpu.memory_space<vmem>> -> memref<1x128x128xf32, #tpu.memory_space<vmem>>
        %dma_start3A_109 = tpu.memref_squeeze %dma_start3A_108 : memref<1x128x128xf32, #tpu.memory_space<vmem>> -> memref<128x128xf32, #tpu.memory_space<vmem>>
        %dma_start3A_110 = arith.constant 0 : i32
        %dma_start3A_111 = tpu.memref_slice %arg6[%add3A_104, %dma_start3A_110] : memref<40x128xi32, #tpu.memory_space<vmem>> -> memref<1x128xi32, #tpu.memory_space<vmem>>
        %dma_start3A_112 = tpu.memref_squeeze %dma_start3A_111 : memref<1x128xi32, #tpu.memory_space<vmem>> -> memref<128xi32, #tpu.memory_space<vmem>>
        %dma_start3A_113 = arith.constant 0 : i32
        %dma_start3A_114 = arith.constant 0 : i32
        %dma_start3A_115 = tpu.memref_slice %arg2[%dma_start3A_113, %dma_start3A_114] : memref<10000x128xf32, #tpu.memory_space<hbm>> -> memref<10000x128xf32, #tpu.memory_space<hbm>>
        tpu.enqueue_indirect_dma source(%dma_start3A_115 : memref<10000x128xf32, #tpu.memory_space<hbm>>) target(%dma_start3A_109 : memref<128x128xf32, #tpu.memory_space<vmem>>) offsets(%dma_start3A_112 : memref<128xi32, #tpu.memory_space<vmem>>) semaphore(%arg10 : memref<!tpu.dma_semaphore, #tpu.memory_space<semaphore_mem>>)
      } else {
      }
      %mul3A_80 = arith.constant 2 : i32
      %mul3A_81 = arith.muli %scan3A_63, %mul3A_80 : i32
      %add3A_82 = arith.constant 1 : i32
      %add3A_83 = arith.addi %mul3A_81, %add3A_82 : i32
      %dma_wait3A_84 = arith.constant 1 : i32
      %dma_wait3A_85 = arith.constant 0 : i32
      %dma_wait3A_86 = arith.constant 0 : i32
      %dma_wait3A_87 = tpu.memref_slice %arg8[%dma_wait3A_84, %dma_wait3A_85, %dma_wait3A_86] : memref<2x128x128xf32, #tpu.memory_space<vmem>> -> memref<1x128x128xf32, #tpu.memory_space<vmem>>
      %dma_wait3A_88 = tpu.memref_squeeze %dma_wait3A_87 : memref<1x128x128xf32, #tpu.memory_space<vmem>> -> memref<128x128xf32, #tpu.memory_space<vmem>>
      %dma_wait3A_89 = arith.constant 0 : i32
      %dma_wait3A_90 = tpu.memref_slice %arg6[%add3A_83, %dma_wait3A_89] : memref<40x128xi32, #tpu.memory_space<vmem>> -> memref<1x128xi32, #tpu.memory_space<vmem>>
      %dma_wait3A_91 = tpu.memref_squeeze %dma_wait3A_90 : memref<1x128xi32, #tpu.memory_space<vmem>> -> memref<128xi32, #tpu.memory_space<vmem>>
      %dma_wait3A_92 = arith.constant 0 : i32
      %dma_wait3A_93 = arith.constant 0 : i32
      %dma_wait3A_94 = tpu.memref_slice %arg2[%dma_wait3A_92, %dma_wait3A_93] : memref<10000x128xf32, #tpu.memory_space<hbm>> -> memref<10000x128xf32, #tpu.memory_space<hbm>>
      tpu.wait_indirect_dma semaphore(%arg11 : memref<!tpu.dma_semaphore, #tpu.memory_space<semaphore_mem>>) src(%dma_wait3A_94 : memref<10000x128xf32, #tpu.memory_space<hbm>>) dst(%dma_wait3A_88 : memref<128x128xf32, #tpu.memory_space<vmem>>)
      %run_scoped3A_95 = arith.constant 1 : i32
      "tpu.region"() ({
        %run_scoped3A_103 = tpu.sem_alloc : memref<!tpu.dma_semaphore, #tpu.memory_space<semaphore_mem>>
        %dma_start3A_104 = arith.constant 0 : i32
        %dma_start3A_105 = arith.constant 0 : i32
        %dma_start3A_106 = tpu.memref_slice %arg8[%run_scoped3A_95, %dma_start3A_104, %dma_start3A_105] : memref<2x128x128xf32, #tpu.memory_space<vmem>> -> memref<1x128x128xf32, #tpu.memory_space<vmem>>
        %dma_start3A_107 = tpu.memref_squeeze %dma_start3A_106 : memref<1x128x128xf32, #tpu.memory_space<vmem>> -> memref<128x128xf32, #tpu.memory_space<vmem>>
        %dma_start3A_108 = arith.constant 0 : i32
        %dma_start3A_109 = tpu.memref_slice %arg7[%add3A_83, %dma_start3A_108] : memref<40x128xi32, #tpu.memory_space<vmem>> -> memref<1x128xi32, #tpu.memory_space<vmem>>
        %dma_start3A_110 = tpu.memref_squeeze %dma_start3A_109 : memref<1x128xi32, #tpu.memory_space<vmem>> -> memref<128xi32, #tpu.memory_space<vmem>>
        %dma_start3A_111 = arith.constant 0 : i32
        %dma_start3A_112 = arith.constant 0 : i32
        %dma_start3A_113 = tpu.memref_slice %arg9[%dma_start3A_111, %dma_start3A_112] : memref<10240x128xf32, #tpu.memory_space<vmem_shared>> -> memref<10240x128xf32, #tpu.memory_space<vmem_shared>>
        tpu.enqueue_indirect_dma source(%dma_start3A_107 : memref<128x128xf32, #tpu.memory_space<vmem>>) target(%dma_start3A_113 : memref<10240x128xf32, #tpu.memory_space<vmem_shared>>) offsets(%dma_start3A_110 : memref<128xi32, #tpu.memory_space<vmem>>) semaphore(%run_scoped3A_103 : memref<!tpu.dma_semaphore, #tpu.memory_space<semaphore_mem>>) {add = true}
        %dma_wait3A_114 = arith.constant 0 : i32
        %dma_wait3A_115 = arith.constant 0 : i32
        %dma_wait3A_116 = tpu.memref_slice %arg8[%run_scoped3A_95, %dma_wait3A_114, %dma_wait3A_115] : memref<2x128x128xf32, #tpu.memory_space<vmem>> -> memref<1x128x128xf32, #tpu.memory_space<vmem>>
        %dma_wait3A_117 = tpu.memref_squeeze %dma_wait3A_116 : memref<1x128x128xf32, #tpu.memory_space<vmem>> -> memref<128x128xf32, #tpu.memory_space<vmem>>
        %dma_wait3A_118 = arith.constant 0 : i32
        %dma_wait3A_119 = tpu.memref_slice %arg7[%add3A_83, %dma_wait3A_118] : memref<40x128xi32, #tpu.memory_space<vmem>> -> memref<1x128xi32, #tpu.memory_space<vmem>>
        %dma_wait3A_120 = tpu.memref_squeeze %dma_wait3A_119 : memref<1x128xi32, #tpu.memory_space<vmem>> -> memref<128xi32, #tpu.memory_space<vmem>>
        %dma_wait3A_121 = arith.constant 0 : i32
        %dma_wait3A_122 = arith.constant 0 : i32
        %dma_wait3A_123 = tpu.memref_slice %arg9[%dma_wait3A_121, %dma_wait3A_122] : memref<10240x128xf32, #tpu.memory_space<vmem_shared>> -> memref<10240x128xf32, #tpu.memory_space<vmem_shared>>
        tpu.wait_indirect_dma semaphore(%run_scoped3A_103 : memref<!tpu.dma_semaphore, #tpu.memory_space<semaphore_mem>>) src(%dma_wait3A_117 : memref<128x128xf32, #tpu.memory_space<vmem>>) dst(%dma_wait3A_123 : memref<10240x128xf32, #tpu.memory_space<vmem_shared>>)
        tpu.yield
      }) : () -> ()
      %add3A_96 = arith.constant 2 : i32
      %add3A_97 = arith.addi %add3A_83, %add3A_96 : i32
      %lt3A_98 = arith.constant 40 : i32
      %lt3A_99 = arith.cmpi slt, %add3A_97, %lt3A_98 : i32
      %convert_element_type3A_100 = arith.extui %lt3A_99 : i1 to i32
      %cond3A_101 = arith.constant 0 : i32
      %cond3A_102 = arith.cmpi ne, %convert_element_type3A_100, %cond3A_101 : i32
      scf.if %cond3A_102 {
        %add3A_103 = arith.constant 2 : i32
        %add3A_104 = arith.addi %add3A_83, %add3A_103 : i32
        %dma_start3A_105 = arith.constant 1 : i32
        %dma_start3A_106 = arith.constant 0 : i32
        %dma_start3A_107 = arith.constant 0 : i32
        %dma_start3A_108 = tpu.memref_slice %arg8[%dma_start3A_105, %dma_start3A_106, %dma_start3A_107] : memref<2x128x128xf32, #tpu.memory_space<vmem>> -> memref<1x128x128xf32, #tpu.memory_space<vmem>>
        %dma_start3A_109 = tpu.memref_squeeze %dma_start3A_108 : memref<1x128x128xf32, #tpu.memory_space<vmem>> -> memref<128x128xf32, #tpu.memory_space<vmem>>
        %dma_start3A_110 = arith.constant 0 : i32
        %dma_start3A_111 = tpu.memref_slice %arg6[%add3A_104, %dma_start3A_110] : memref<40x128xi32, #tpu.memory_space<vmem>> -> memref<1x128xi32, #tpu.memory_space<vmem>>
        %dma_start3A_112 = tpu.memref_squeeze %dma_start3A_111 : memref<1x128xi32, #tpu.memory_space<vmem>> -> memref<128xi32, #tpu.memory_space<vmem>>
        %dma_start3A_113 = arith.constant 0 : i32
        %dma_start3A_114 = arith.constant 0 : i32
        %dma_start3A_115 = tpu.memref_slice %arg2[%dma_start3A_113, %dma_start3A_114] : memref<10000x128xf32, #tpu.memory_space<hbm>> -> memref<10000x128xf32, #tpu.memory_space<hbm>>
        tpu.enqueue_indirect_dma source(%dma_start3A_115 : memref<10000x128xf32, #tpu.memory_space<hbm>>) target(%dma_start3A_109 : memref<128x128xf32, #tpu.memory_space<vmem>>) offsets(%dma_start3A_112 : memref<128xi32, #tpu.memory_space<vmem>>) semaphore(%arg11 : memref<!tpu.dma_semaphore, #tpu.memory_space<semaphore_mem>>)
      } else {
      }
    }
    %scan3A_61 = arith.constant 20 : i32
    %barrier3A_62 = arith.constant 0 : index
    tpu.barrier barrier_id(%barrier3A_62)
    "tpu.region"() ({
      %run_scoped3A_63 = tpu.sem_alloc : memref<!tpu.dma_semaphore, #tpu.memory_space<semaphore_mem>>
      %dma_start3A_64 = arith.constant 0 : i32
      %dma_start3A_65 = tpu.memref_slice %arg5[%arg0, %mul3A_24, %dma_start3A_64] : memref<2x10240x128xf32, #tpu.memory_space<hbm>> -> memref<1x640x128xf32, #tpu.memory_space<hbm>>
      %dma_start3A_66 = tpu.memref_squeeze %dma_start3A_65 : memref<1x640x128xf32, #tpu.memory_space<hbm>> -> memref<640x128xf32, #tpu.memory_space<hbm>>
      %dma_start3A_67 = arith.constant 0 : i32
      %dma_start3A_68 = tpu.memref_slice %arg9[%mul3A_24, %dma_start3A_67] : memref<10240x128xf32, #tpu.memory_space<vmem_shared>> -> memref<640x128xf32, #tpu.memory_space<vmem_shared>>
      tpu.enqueue_dma source(%dma_start3A_68 : memref<640x128xf32, #tpu.memory_space<vmem_shared>>) target(%dma_start3A_66 : memref<640x128xf32, #tpu.memory_space<hbm>>) target_semaphore(%run_scoped3A_63 : memref<!tpu.dma_semaphore, #tpu.memory_space<semaphore_mem>>)
      %dma_wait3A = arith.constant 0 : i32
      %dma_wait3A_69 = tpu.memref_slice %arg5[%arg0, %mul3A_24, %dma_wait3A] : memref<2x10240x128xf32, #tpu.memory_space<hbm>> -> memref<1x640x128xf32, #tpu.memory_space<hbm>>
      %dma_wait3A_70 = tpu.memref_squeeze %dma_wait3A_69 : memref<1x640x128xf32, #tpu.memory_space<hbm>> -> memref<640x128xf32, #tpu.memory_space<hbm>>
      %dma_wait3A_71 = arith.constant 0 : i32
      %dma_wait3A_72 = tpu.memref_slice %arg9[%mul3A_24, %dma_wait3A_71] : memref<10240x128xf32, #tpu.memory_space<vmem_shared>> -> memref<640x128xf32, #tpu.memory_space<vmem_shared>>
      tpu.wait_dma2 semaphore(%run_scoped3A_63 : memref<!tpu.dma_semaphore, #tpu.memory_space<semaphore_mem>>) src(%dma_wait3A_72 : memref<640x128xf32, #tpu.memory_space<vmem_shared>>) dst(%dma_wait3A_70 : memref<640x128xf32, #tpu.memory_space<hbm>>)
      tpu.yield
    }) : () -> ()
    return
  }
}

#map = affine_map<(d0, d1) -> (0, 0)>
#map1 = affine_map<(d0, d1) -> (0, 0, 0, 0, 0)>
#map2 = affine_map<(d0, d1) -> (0, 0, 0)>
module attributes {stable_mosaic.version = 14 : i64} {
  func.func @k(%arg0: i32, %arg1: i32, %arg2: memref<10000x128xf32, #tpu.memory_space<hbm>>, %arg3: memref<2x2x16x80x128xi32, #tpu.memory_space<hbm>>, %arg4: memref<10240x128xf32, #tpu.memory_space<hbm>>, %arg5: memref<2x10240x128xf32, #tpu.memory_space<hbm>>, %arg6: memref<40x128xi32, #tpu.memory_space<vmem>>, %arg7: memref<40x128xi32, #tpu.memory_space<vmem>>, %arg8: memref<2x128x128xf32, #tpu.memory_space<vmem>>, %arg9: memref<10240x128xf32, #tpu.memory_space<vmem_shared>>, %arg10: memref<!tpu.dma_semaphore, #tpu.memory_space<semaphore_mem>>, %arg11: memref<!tpu.dma_semaphore, #tpu.memory_space<semaphore_mem>>) attributes {dimension_semantics = [#tpu.dimension_semantics<core_parallel>, #tpu.dimension_semantics<subcore_parallel>], iteration_bounds = array<i64: 2, 16>, scalar_prefetch = 0 : i64, scratch_operands = 6 : i64, tpu.core_type = #tpu.core_type<sc_vector_subcore>, window_params = [{transform_indices = #map}, {transform_indices = #map1}, {transform_indices = #map}, {transform_indices = #map2}]} {
    %run_scoped3A = arith.constant 0 : i32
    "tpu.region"() ({
      %run_scoped3A_63 = tpu.sem_alloc : memref<!tpu.dma_semaphore, #tpu.memory_space<semaphore_mem>>
      %dma_start3A_64 = arith.constant 0 : i32
      %dma_start3A_65 = arith.constant 0 : i32
      %dma_start3A_66 = tpu.memref_slice %arg3[%arg0, %run_scoped3A, %arg1, %dma_start3A_64, %dma_start3A_65] : memref<2x2x16x80x128xi32, #tpu.memory_space<hbm>> -> memref<1x1x1x40x128xi32, #tpu.memory_space<hbm>>
      %dma_start3A_67 = tpu.memref_squeeze %dma_start3A_66 : memref<1x1x1x40x128xi32, #tpu.memory_space<hbm>> -> memref<40x128xi32, #tpu.memory_space<hbm>>
      %dma_start3A_68 = arith.constant 0 : i32
      %dma_start3A_69 = arith.constant 0 : i32
      %dma_start3A_70 = tpu.memref_slice %arg3[%arg0, %run_scoped3A, %arg1, %dma_start3A_68, %dma_start3A_69] : memref<2x2x16x80x128xi32, #tpu.memory_space<hbm>> -> memref<1x1x1x40x128xi32, #tpu.memory_space<hbm>>
      %dma_start3A_71 = tpu.memref_squeeze %dma_start3A_70 : memref<1x1x1x40x128xi32, #tpu.memory_space<hbm>> -> memref<40x128xi32, #tpu.memory_space<hbm>>
      tpu.enqueue_dma source(%dma_start3A_71 : memref<40x128xi32, #tpu.memory_space<hbm>>) target(%arg6 : memref<40x128xi32, #tpu.memory_space<vmem>>) target_semaphore(%run_scoped3A_63 : memref<!tpu.dma_semaphore, #tpu.memory_space<semaphore_mem>>)
      %dma_wait3A = arith.constant 0 : i32
      %dma_wait3A_72 = arith.constant 0 : i32
      %dma_wait3A_73 = tpu.memref_slice %arg3[%arg0, %run_scoped3A, %arg1, %dma_wait3A, %dma_wait3A_72] : memref<2x2x16x80x128xi32, #tpu.memory_space<hbm>> -> memref<1x1x1x40x128xi32, #tpu.memory_space<hbm>>
      %dma_wait3A_74 = tpu.memref_squeeze %dma_wait3A_73 : memref<1x1x1x40x128xi32, #tpu.memory_space<hbm>> -> memref<40x128xi32, #tpu.memory_space<hbm>>
      %dma_wait3A_75 = arith.constant 0 : i32
      %dma_wait3A_76 = arith.constant 0 : i32
      %dma_wait3A_77 = tpu.memref_slice %arg3[%arg0, %run_scoped3A, %arg1, %dma_wait3A_75, %dma_wait3A_76] : memref<2x2x16x80x128xi32, #tpu.memory_space<hbm>> -> memref<1x1x1x40x128xi32, #tpu.memory_space<hbm>>
      %dma_wait3A_78 = tpu.memref_squeeze %dma_wait3A_77 : memref<1x1x1x40x128xi32, #tpu.memory_space<hbm>> -> memref<40x128xi32, #tpu.memory_space<hbm>>
      tpu.wait_dma2 semaphore(%run_scoped3A_63 : memref<!tpu.dma_semaphore, #tpu.memory_space<semaphore_mem>>) src(%dma_wait3A_78 : memref<40x128xi32, #tpu.memory_space<hbm>>) dst(%arg6 : memref<40x128xi32, #tpu.memory_space<vmem>>)
      tpu.yield
    }) : () -> ()
    %run_scoped3A_0 = arith.constant 1 : i32
    "tpu.region"() ({
      %run_scoped3A_63 = tpu.sem_alloc : memref<!tpu.dma_semaphore, #tpu.memory_space<semaphore_mem>>
      %dma_start3A_64 = arith.constant 0 : i32
      %dma_start3A_65 = arith.constant 0 : i32
      %dma_start3A_66 = tpu.memref_slice %arg3[%arg0, %run_scoped3A_0, %arg1, %dma_start3A_64, %dma_start3A_65] : memref<2x2x16x80x128xi32, #tpu.memory_space<hbm>> -> memref<1x1x1x40x128xi32, #tpu.memory_space<hbm>>
      %dma_start3A_67 = tpu.memref_squeeze %dma_start3A_66 : memref<1x1x1x40x128xi32, #tpu.memory_space<hbm>> -> memref<40x128xi32, #tpu.memory_space<hbm>>
      %dma_start3A_68 = arith.constant 0 : i32
      %dma_start3A_69 = arith.constant 0 : i32
      %dma_start3A_70 = tpu.memref_slice %arg3[%arg0, %run_scoped3A_0, %arg1, %dma_start3A_68, %dma_start3A_69] : memref<2x2x16x80x128xi32, #tpu.memory_space<hbm>> -> memref<1x1x1x40x128xi32, #tpu.memory_space<hbm>>
      %dma_start3A_71 = tpu.memref_squeeze %dma_start3A_70 : memref<1x1x1x40x128xi32, #tpu.memory_space<hbm>> -> memref<40x128xi32, #tpu.memory_space<hbm>>
      tpu.enqueue_dma source(%dma_start3A_71 : memref<40x128xi32, #tpu.memory_space<hbm>>) target(%arg7 : memref<40x128xi32, #tpu.memory_space<vmem>>) target_semaphore(%run_scoped3A_63 : memref<!tpu.dma_semaphore, #tpu.memory_space<semaphore_mem>>)
      %dma_wait3A = arith.constant 0 : i32
      %dma_wait3A_72 = arith.constant 0 : i32
      %dma_wait3A_73 = tpu.memref_slice %arg3[%arg0, %run_scoped3A_0, %arg1, %dma_wait3A, %dma_wait3A_72] : memref<2x2x16x80x128xi32, #tpu.memory_space<hbm>> -> memref<1x1x1x40x128xi32, #tpu.memory_space<hbm>>
      %dma_wait3A_74 = tpu.memref_squeeze %dma_wait3A_73 : memref<1x1x1x40x128xi32, #tpu.memory_space<hbm>> -> memref<40x128xi32, #tpu.memory_space<hbm>>
      %dma_wait3A_75 = arith.constant 0 : i32
      %dma_wait3A_76 = arith.constant 0 : i32
      %dma_wait3A_77 = tpu.memref_slice %arg3[%arg0, %run_scoped3A_0, %arg1, %dma_wait3A_75, %dma_wait3A_76] : memref<2x2x16x80x128xi32, #tpu.memory_space<hbm>> -> memref<1x1x1x40x128xi32, #tpu.memory_space<hbm>>
      %dma_wait3A_78 = tpu.memref_squeeze %dma_wait3A_77 : memref<1x1x1x40x128xi32, #tpu.memory_space<hbm>> -> memref<40x128xi32, #tpu.memory_space<hbm>>
      tpu.wait_dma2 semaphore(%run_scoped3A_63 : memref<!tpu.dma_semaphore, #tpu.memory_space<semaphore_mem>>) src(%dma_wait3A_78 : memref<40x128xi32, #tpu.memory_space<hbm>>) dst(%arg7 : memref<40x128xi32, #tpu.memory_space<vmem>>)
      tpu.yield
    }) : () -> ()
    %dma_start3A = arith.constant 0 : i32
    %dma_start3A_1 = arith.constant 0 : i32
    %dma_start3A_2 = arith.constant 0 : i32
    %dma_start3A_3 = arith.constant 0 : i32
    %dma_start3A_4 = tpu.memref_slice %arg8[%dma_start3A_1, %dma_start3A_2, %dma_start3A_3] : memref<2x128x128xf32, #tpu.memory_space<vmem>> -> memref<1x128x128xf32, #tpu.memory_space<vmem>>
    %dma_start3A_5 = tpu.memref_squeeze %dma_start3A_4 : memref<1x128x128xf32, #tpu.memory_space<vmem>> -> memref<128x128xf32, #tpu.memory_space<vmem>>
    %dma_start3A_6 = arith.constant 0 : i32
    %dma_start3A_7 = tpu.memref_slice %arg6[%dma_start3A, %dma_start3A_6] : memref<40x128xi32, #tpu.memory_space<vmem>> -> memref<1x128xi32, #tpu.memory_space<vmem>>
    %dma_start3A_8 = tpu.memref_squeeze %dma_start3A_7 : memref<1x128xi32, #tpu.memory_space<vmem>> -> memref<128xi32, #tpu.memory_space<vmem>>
    %dma_start3A_9 = arith.constant 0 : i32
    %dma_start3A_10 = arith.constant 0 : i32
    %dma_start3A_11 = tpu.memref_slice %arg2[%dma_start3A_9, %dma_start3A_10] : memref<10000x128xf32, #tpu.memory_space<hbm>> -> memref<10000x128xf32, #tpu.memory_space<hbm>>
    tpu.enqueue_indirect_dma source(%dma_start3A_11 : memref<10000x128xf32, #tpu.memory_space<hbm>>) target(%dma_start3A_5 : memref<128x128xf32, #tpu.memory_space<vmem>>) offsets(%dma_start3A_8 : memref<128xi32, #tpu.memory_space<vmem>>) semaphore(%arg10 : memref<!tpu.dma_semaphore, #tpu.memory_space<semaphore_mem>>)
    %dma_start3A_12 = arith.constant 1 : i32
    %dma_start3A_13 = arith.constant 1 : i32
    %dma_start3A_14 = arith.constant 0 : i32
    %dma_start3A_15 = arith.constant 0 : i32
    %dma_start3A_16 = tpu.memref_slice %arg8[%dma_start3A_13, %dma_start3A_14, %dma_start3A_15] : memref<2x128x128xf32, #tpu.memory_space<vmem>> -> memref<1x128x128xf32, #tpu.memory_space<vmem>>
    %dma_start3A_17 = tpu.memref_squeeze %dma_start3A_16 : memref<1x128x128xf32, #tpu.memory_space<vmem>> -> memref<128x128xf32, #tpu.memory_space<vmem>>
    %dma_start3A_18 = arith.constant 0 : i32
    %dma_start3A_19 = tpu.memref_slice %arg6[%dma_start3A_12, %dma_start3A_18] : memref<40x128xi32, #tpu.memory_space<vmem>> -> memref<1x128xi32, #tpu.memory_space<vmem>>
    %dma_start3A_20 = tpu.memref_squeeze %dma_start3A_19 : memref<1x128xi32, #tpu.memory_space<vmem>> -> memref<128xi32, #tpu.memory_space<vmem>>
    %dma_start3A_21 = arith.constant 0 : i32
    %dma_start3A_22 = arith.constant 0 : i32
    %dma_start3A_23 = tpu.memref_slice %arg2[%dma_start3A_21, %dma_start3A_22] : memref<10000x128xf32, #tpu.memory_space<hbm>> -> memref<10000x128xf32, #tpu.memory_space<hbm>>
    tpu.enqueue_indirect_dma source(%dma_start3A_23 : memref<10000x128xf32, #tpu.memory_space<hbm>>) target(%dma_start3A_17 : memref<128x128xf32, #tpu.memory_space<vmem>>) offsets(%dma_start3A_20 : memref<128xi32, #tpu.memory_space<vmem>>) semaphore(%arg11 : memref<!tpu.dma_semaphore, #tpu.memory_space<semaphore_mem>>)
    %mul3A = arith.constant 640 : i32
    %mul3A_24 = arith.muli %arg1, %mul3A : i32
    "tpu.region"() ({
      %run_scoped3A_63 = tpu.sem_alloc : memref<!tpu.dma_semaphore, #tpu.memory_space<semaphore_mem>>
      %dma_start3A_64 = arith.constant 0 : i32
      %dma_start3A_65 = tpu.memref_slice %arg9[%mul3A_24, %dma_start3A_64] : memref<10240x128xf32, #tpu.memory_space<vmem_shared>> -> memref<640x128xf32, #tpu.memory_space<vmem_shared>>
      %dma_start3A_66 = arith.constant 0 : i32
      %dma_start3A_67 = tpu.memref_slice %arg4[%mul3A_24, %dma_start3A_66] : memref<10240x128xf32, #tpu.memory_space<hbm>> -> memref<640x128xf32, #tpu.memory_space<hbm>>
      tpu.enqueue_dma source(%dma_start3A_67 : memref<640x128xf32, #tpu.memory_space<hbm>>) target(%dma_start3A_65 : memref<640x128xf32, #tpu.memory_space<vmem_shared>>) target_semaphore(%run_scoped3A_63 : memref<!tpu.dma_semaphore, #tpu.memory_space<semaphore_mem>>)
      %dma_wait3A = arith.constant 0 : i32
      %dma_wait3A_68 = tpu.memref_slice %arg9[%mul3A_24, %dma_wait3A] : memref<10240x128xf32, #tpu.memory_space<vmem_shared>> -> memref<640x128xf32, #tpu.memory_space<vmem_shared>>
      %dma_wait3A_69 = arith.constant 0 : i32
      %dma_wait3A_70 = tpu.memref_slice %arg4[%mul3A_24, %dma_wait3A_69] : memref<10240x128xf32, #tpu.memory_space<hbm>> -> memref<640x128xf32, #tpu.memory_space<hbm>>
      tpu.wait_dma2 semaphore(%run_scoped3A_63 : memref<!tpu.dma_semaphore, #tpu.memory_space<semaphore_mem>>) src(%dma_wait3A_70 : memref<640x128xf32, #tpu.memory_space<hbm>>) dst(%dma_wait3A_68 : memref<640x128xf32, #tpu.memory_space<vmem_shared>>)
      tpu.yield
    }) : () -> ()
    %barrier3A = arith.constant 0 : index
    tpu.barrier barrier_id(%barrier3A)
    %scan3A = arith.constant 0 : i32
    %scan3A_25 = arith.constant 0 : i32
    %scan3A_26 = arith.constant 20 : i32
    %scan3A_27 = arith.addi %scan3A_25, %scan3A_26 : i32
    %scan3A_28 = arith.constant 1 : i32
    scf.for %scan3A_63 = %scan3A_25 to %scan3A_27 step %scan3A_28  : i32 {
      %mul3A_64 = arith.constant 2 : i32
      %mul3A_65 = arith.muli %scan3A_63, %mul3A_64 : i32
      %dma_wait3A = arith.constant 0 : i32
      %dma_wait3A_66 = arith.constant 0 : i32
      %dma_wait3A_67 = arith.constant 0 : i32
      %dma_wait3A_68 = tpu.memref_slice %arg8[%dma_wait3A, %dma_wait3A_66, %dma_wait3A_67] : memref<2x128x128xf32, #tpu.memory_space<vmem>> -> memref<1x128x128xf32, #tpu.memory_space<vmem>>
      %dma_wait3A_69 = tpu.memref_squeeze %dma_wait3A_68 : memref<1x128x128xf32, #tpu.memory_space<vmem>> -> memref<128x128xf32, #tpu.memory_space<vmem>>
      %dma_wait3A_70 = arith.constant 0 : i32
      %dma_wait3A_71 = tpu.memref_slice %arg6[%mul3A_65, %dma_wait3A_70] : memref<40x128xi32, #tpu.memory_space<vmem>> -> memref<1x128xi32, #tpu.memory_space<vmem>>
      %dma_wait3A_72 = tpu.memref_squeeze %dma_wait3A_71 : memref<1x128xi32, #tpu.memory_space<vmem>> -> memref<128xi32, #tpu.memory_space<vmem>>
      %dma_wait3A_73 = arith.constant 0 : i32
      %dma_wait3A_74 = arith.constant 0 : i32
      %dma_wait3A_75 = tpu.memref_slice %arg2[%dma_wait3A_73, %dma_wait3A_74] : memref<10000x128xf32, #tpu.memory_space<hbm>> -> memref<10000x128xf32, #tpu.memory_space<hbm>>
      tpu.wait_indirect_dma semaphore(%arg10 : memref<!tpu.dma_semaphore, #tpu.memory_space<semaphore_mem>>) src(%dma_wait3A_75 : memref<10000x128xf32, #tpu.memory_space<hbm>>) dst(%dma_wait3A_69 : memref<128x128xf32, #tpu.memory_space<vmem>>)
      %run_scoped3A_76 = arith.constant 0 : i32
      "tpu.region"() ({
        %run_scoped3A_103 = tpu.sem_alloc : memref<!tpu.dma_semaphore, #tpu.memory_space<semaphore_mem>>
        %dma_start3A_104 = arith.constant 0 : i32
        %dma_start3A_105 = arith.constant 0 : i32
        %dma_start3A_106 = tpu.memref_slice %arg8[%run_scoped3A_76, %dma_start3A_104, %dma_start3A_105] : memref<2x128x128xf32, #tpu.memory_space<vmem>> -> memref<1x128x128xf32, #tpu.memory_space<vmem>>
        %dma_start3A_107 = tpu.memref_squeeze %dma_start3A_106 : memref<1x128x128xf32, #tpu.memory_space<vmem>> -> memref<128x128xf32, #tpu.memory_space<vmem>>
        %dma_start3A_108 = arith.constant 0 : i32
        %dma_start3A_109 = tpu.memref_slice %arg7[%mul3A_65, %dma_start3A_108] : memref<40x128xi32, #tpu.memory_space<vmem>> -> memref<1x128xi32, #tpu.memory_space<vmem>>
        %dma_start3A_110 = tpu.memref_squeeze %dma_start3A_109 : memref<1x128xi32, #tpu.memory_space<vmem>> -> memref<128xi32, #tpu.memory_space<vmem>>
        %dma_start3A_111 = arith.constant 0 : i32
        %dma_start3A_112 = arith.constant 0 : i32
        %dma_start3A_113 = tpu.memref_slice %arg9[%dma_start3A_111, %dma_start3A_112] : memref<10240x128xf32, #tpu.memory_space<vmem_shared>> -> memref<10240x128xf32, #tpu.memory_space<vmem_shared>>
        tpu.enqueue_indirect_dma source(%dma_start3A_107 : memref<128x128xf32, #tpu.memory_space<vmem>>) target(%dma_start3A_113 : memref<10240x128xf32, #tpu.memory_space<vmem_shared>>) offsets(%dma_start3A_110 : memref<128xi32, #tpu.memory_space<vmem>>) semaphore(%run_scoped3A_103 : memref<!tpu.dma_semaphore, #tpu.memory_space<semaphore_mem>>) {add = true}
        %dma_wait3A_114 = arith.constant 0 : i32
        %dma_wait3A_115 = arith.constant 0 : i32
        %dma_wait3A_116 = tpu.memref_slice %arg8[%run_scoped3A_76, %dma_wait3A_114, %dma_wait3A_115] : memref<2x128x128xf32, #tpu.memory_space<vmem>> -> memref<1x128x128xf32, #tpu.memory_space<vmem>>
        %dma_wait3A_117 = tpu.memref_squeeze %dma_wait3A_116 : memref<1x128x128xf32, #tpu.memory_space<vmem>> -> memref<128x128xf32, #tpu.memory_space<vmem>>
        %dma_wait3A_118 = arith.constant 0 : i32
        %dma_wait3A_119 = tpu.memref_slice %arg7[%mul3A_65, %dma_wait3A_118] : memref<40x128xi32, #tpu.memory_space<vmem>> -> memref<1x128xi32, #tpu.memory_space<vmem>>
        %dma_wait3A_120 = tpu.memref_squeeze %dma_wait3A_119 : memref<1x128xi32, #tpu.memory_space<vmem>> -> memref<128xi32, #tpu.memory_space<vmem>>
        %dma_wait3A_121 = arith.constant 0 : i32
        %dma_wait3A_122 = arith.constant 0 : i32
        %dma_wait3A_123 = tpu.memref_slice %arg9[%dma_wait3A_121, %dma_wait3A_122] : memref<10240x128xf32, #tpu.memory_space<vmem_shared>> -> memref<10240x128xf32, #tpu.memory_space<vmem_shared>>
        tpu.wait_indirect_dma semaphore(%run_scoped3A_103 : memref<!tpu.dma_semaphore, #tpu.memory_space<semaphore_mem>>) src(%dma_wait3A_117 : memref<128x128xf32, #tpu.memory_space<vmem>>) dst(%dma_wait3A_123 : memref<10240x128xf32, #tpu.memory_space<vmem_shared>>)
        tpu.yield
      }) : () -> ()
      %add3A = arith.constant 2 : i32
      %add3A_77 = arith.addi %mul3A_65, %add3A : i32
      %lt3A = arith.constant 40 : i32
      %lt3A_78 = arith.cmpi slt, %add3A_77, %lt3A : i32
      %convert_element_type3A = arith.extui %lt3A_78 : i1 to i32
      %cond3A = arith.constant 0 : i32
      %cond3A_79 = arith.cmpi ne, %convert_element_type3A, %cond3A : i32
      scf.if %cond3A_79 {
        %add3A_103 = arith.constant 2 : i32
        %add3A_104 = arith.addi %mul3A_65, %add3A_103 : i32
        %dma_start3A_105 = arith.constant 0 : i32
        %dma_start3A_106 = arith.constant 0 : i32
        %dma_start3A_107 = arith.constant 0 : i32
        %dma_start3A_108 = tpu.memref_slice %arg8[%dma_start3A_105, %dma_start3A_106, %dma_start3A_107] : memref<2x128x128xf32, #tpu.memory_space<vmem>> -> memref<1x128x128xf32, #tpu.memory_space<vmem>>
        %dma_start3A_109 = tpu.memref_squeeze %dma_start3A_108 : memref<1x128x128xf32, #tpu.memory_space<vmem>> -> memref<128x128xf32, #tpu.memory_space<vmem>>
        %dma_start3A_110 = arith.constant 0 : i32
        %dma_start3A_111 = tpu.memref_slice %arg6[%add3A_104, %dma_start3A_110] : memref<40x128xi32, #tpu.memory_space<vmem>> -> memref<1x128xi32, #tpu.memory_space<vmem>>
        %dma_start3A_112 = tpu.memref_squeeze %dma_start3A_111 : memref<1x128xi32, #tpu.memory_space<vmem>> -> memref<128xi32, #tpu.memory_space<vmem>>
        %dma_start3A_113 = arith.constant 0 : i32
        %dma_start3A_114 = arith.constant 0 : i32
        %dma_start3A_115 = tpu.memref_slice %arg2[%dma_start3A_113, %dma_start3A_114] : memref<10000x128xf32, #tpu.memory_space<hbm>> -> memref<10000x128xf32, #tpu.memory_space<hbm>>
        tpu.enqueue_indirect_dma source(%dma_start3A_115 : memref<10000x128xf32, #tpu.memory_space<hbm>>) target(%dma_start3A_109 : memref<128x128xf32, #tpu.memory_space<vmem>>) offsets(%dma_start3A_112 : memref<128xi32, #tpu.memory_space<vmem>>) semaphore(%arg10 : memref<!tpu.dma_semaphore, #tpu.memory_space<semaphore_mem>>)
      } else {
      }
      %mul3A_80 = arith.constant 2 : i32
      %mul3A_81 = arith.muli %scan3A_63, %mul3A_80 : i32
      %add3A_82 = arith.constant 1 : i32
      %add3A_83 = arith.addi %mul3A_81, %add3A_82 : i32
      %dma_wait3A_84 = arith.constant 1 : i32
      %dma_wait3A_85 = arith.constant 0 : i32
      %dma_wait3A_86 = arith.constant 0 : i32
      %dma_wait3A_87 = tpu.memref_slice %arg8[%dma_wait3A_84, %dma_wait3A_85, %dma_wait3A_86] : memref<2x128x128xf32, #tpu.memory_space<vmem>> -> memref<1x128x128xf32, #tpu.memory_space<vmem>>
      %dma_wait3A_88 = tpu.memref_squeeze %dma_wait3A_87 : memref<1x128x128xf32, #tpu.memory_space<vmem>> -> memref<128x128xf32, #tpu.memory_space<vmem>>
      %dma_wait3A_89 = arith.constant 0 : i32
      %dma_wait3A_90 = tpu.memref_slice %arg6[%add3A_83, %dma_wait3A_89] : memref<40x128xi32, #tpu.memory_space<vmem>> -> memref<1x128xi32, #tpu.memory_space<vmem>>
      %dma_wait3A_91 = tpu.memref_squeeze %dma_wait3A_90 : memref<1x128xi32, #tpu.memory_space<vmem>> -> memref<128xi32, #tpu.memory_space<vmem>>
      %dma_wait3A_92 = arith.constant 0 : i32
      %dma_wait3A_93 = arith.constant 0 : i32
      %dma_wait3A_94 = tpu.memref_slice %arg2[%dma_wait3A_92, %dma_wait3A_93] : memref<10000x128xf32, #tpu.memory_space<hbm>> -> memref<10000x128xf32, #tpu.memory_space<hbm>>
      tpu.wait_indirect_dma semaphore(%arg11 : memref<!tpu.dma_semaphore, #tpu.memory_space<semaphore_mem>>) src(%dma_wait3A_94 : memref<10000x128xf32, #tpu.memory_space<hbm>>) dst(%dma_wait3A_88 : memref<128x128xf32, #tpu.memory_space<vmem>>)
      %run_scoped3A_95 = arith.constant 1 : i32
      "tpu.region"() ({
        %run_scoped3A_103 = tpu.sem_alloc : memref<!tpu.dma_semaphore, #tpu.memory_space<semaphore_mem>>
        %dma_start3A_104 = arith.constant 0 : i32
        %dma_start3A_105 = arith.constant 0 : i32
        %dma_start3A_106 = tpu.memref_slice %arg8[%run_scoped3A_95, %dma_start3A_104, %dma_start3A_105] : memref<2x128x128xf32, #tpu.memory_space<vmem>> -> memref<1x128x128xf32, #tpu.memory_space<vmem>>
        %dma_start3A_107 = tpu.memref_squeeze %dma_start3A_106 : memref<1x128x128xf32, #tpu.memory_space<vmem>> -> memref<128x128xf32, #tpu.memory_space<vmem>>
        %dma_start3A_108 = arith.constant 0 : i32
        %dma_start3A_109 = tpu.memref_slice %arg7[%add3A_83, %dma_start3A_108] : memref<40x128xi32, #tpu.memory_space<vmem>> -> memref<1x128xi32, #tpu.memory_space<vmem>>
        %dma_start3A_110 = tpu.memref_squeeze %dma_start3A_109 : memref<1x128xi32, #tpu.memory_space<vmem>> -> memref<128xi32, #tpu.memory_space<vmem>>
        %dma_start3A_111 = arith.constant 0 : i32
        %dma_start3A_112 = arith.constant 0 : i32
        %dma_start3A_113 = tpu.memref_slice %arg9[%dma_start3A_111, %dma_start3A_112] : memref<10240x128xf32, #tpu.memory_space<vmem_shared>> -> memref<10240x128xf32, #tpu.memory_space<vmem_shared>>
        tpu.enqueue_indirect_dma source(%dma_start3A_107 : memref<128x128xf32, #tpu.memory_space<vmem>>) target(%dma_start3A_113 : memref<10240x128xf32, #tpu.memory_space<vmem_shared>>) offsets(%dma_start3A_110 : memref<128xi32, #tpu.memory_space<vmem>>) semaphore(%run_scoped3A_103 : memref<!tpu.dma_semaphore, #tpu.memory_space<semaphore_mem>>) {add = true}
        %dma_wait3A_114 = arith.constant 0 : i32
        %dma_wait3A_115 = arith.constant 0 : i32
        %dma_wait3A_116 = tpu.memref_slice %arg8[%run_scoped3A_95, %dma_wait3A_114, %dma_wait3A_115] : memref<2x128x128xf32, #tpu.memory_space<vmem>> -> memref<1x128x128xf32, #tpu.memory_space<vmem>>
        %dma_wait3A_117 = tpu.memref_squeeze %dma_wait3A_116 : memref<1x128x128xf32, #tpu.memory_space<vmem>> -> memref<128x128xf32, #tpu.memory_space<vmem>>
        %dma_wait3A_118 = arith.constant 0 : i32
        %dma_wait3A_119 = tpu.memref_slice %arg7[%add3A_83, %dma_wait3A_118] : memref<40x128xi32, #tpu.memory_space<vmem>> -> memref<1x128xi32, #tpu.memory_space<vmem>>
        %dma_wait3A_120 = tpu.memref_squeeze %dma_wait3A_119 : memref<1x128xi32, #tpu.memory_space<vmem>> -> memref<128xi32, #tpu.memory_space<vmem>>
        %dma_wait3A_121 = arith.constant 0 : i32
        %dma_wait3A_122 = arith.constant 0 : i32
        %dma_wait3A_123 = tpu.memref_slice %arg9[%dma_wait3A_121, %dma_wait3A_122] : memref<10240x128xf32, #tpu.memory_space<vmem_shared>> -> memref<10240x128xf32, #tpu.memory_space<vmem_shared>>
        tpu.wait_indirect_dma semaphore(%run_scoped3A_103 : memref<!tpu.dma_semaphore, #tpu.memory_space<semaphore_mem>>) src(%dma_wait3A_117 : memref<128x128xf32, #tpu.memory_space<vmem>>) dst(%dma_wait3A_123 : memref<10240x128xf32, #tpu.memory_space<vmem_shared>>)
        tpu.yield
      }) : () -> ()
      %add3A_96 = arith.constant 2 : i32
      %add3A_97 = arith.addi %add3A_83, %add3A_96 : i32
      %lt3A_98 = arith.constant 40 : i32
      %lt3A_99 = arith.cmpi slt, %add3A_97, %lt3A_98 : i32
      %convert_element_type3A_100 = arith.extui %lt3A_99 : i1 to i32
      %cond3A_101 = arith.constant 0 : i32
      %cond3A_102 = arith.cmpi ne, %convert_element_type3A_100, %cond3A_101 : i32
      scf.if %cond3A_102 {
        %add3A_103 = arith.constant 2 : i32
        %add3A_104 = arith.addi %add3A_83, %add3A_103 : i32
        %dma_start3A_105 = arith.constant 1 : i32
        %dma_start3A_106 = arith.constant 0 : i32
        %dma_start3A_107 = arith.constant 0 : i32
        %dma_start3A_108 = tpu.memref_slice %arg8[%dma_start3A_105, %dma_start3A_106, %dma_start3A_107] : memref<2x128x128xf32, #tpu.memory_space<vmem>> -> memref<1x128x128xf32, #tpu.memory_space<vmem>>
        %dma_start3A_109 = tpu.memref_squeeze %dma_start3A_108 : memref<1x128x128xf32, #tpu.memory_space<vmem>> -> memref<128x128xf32, #tpu.memory_space<vmem>>
        %dma_start3A_110 = arith.constant 0 : i32
        %dma_start3A_111 = tpu.memref_slice %arg6[%add3A_104, %dma_start3A_110] : memref<40x128xi32, #tpu.memory_space<vmem>> -> memref<1x128xi32, #tpu.memory_space<vmem>>
        %dma_start3A_112 = tpu.memref_squeeze %dma_start3A_111 : memref<1x128xi32, #tpu.memory_space<vmem>> -> memref<128xi32, #tpu.memory_space<vmem>>
        %dma_start3A_113 = arith.constant 0 : i32
        %dma_start3A_114 = arith.constant 0 : i32
        %dma_start3A_115 = tpu.memref_slice %arg2[%dma_start3A_113, %dma_start3A_114] : memref<10000x128xf32, #tpu.memory_space<hbm>> -> memref<10000x128xf32, #tpu.memory_space<hbm>>
        tpu.enqueue_indirect_dma source(%dma_start3A_115 : memref<10000x128xf32, #tpu.memory_space<hbm>>) target(%dma_start3A_109 : memref<128x128xf32, #tpu.memory_space<vmem>>) offsets(%dma_start3A_112 : memref<128xi32, #tpu.memory_space<vmem>>) semaphore(%arg11 : memref<!tpu.dma_semaphore, #tpu.memory_space<semaphore_mem>>)
      } else {
      }
    }
    %scan3A_29 = arith.constant 20 : i32
    %run_scoped3A_30 = arith.constant 0 : i32
    "tpu.region"() ({
      %run_scoped3A_63 = tpu.sem_alloc : memref<!tpu.dma_semaphore, #tpu.memory_space<semaphore_mem>>
      %dma_start3A_64 = arith.constant 40 : i32
      %dma_start3A_65 = arith.constant 0 : i32
      %dma_start3A_66 = tpu.memref_slice %arg3[%arg0, %run_scoped3A_30, %arg1, %dma_start3A_64, %dma_start3A_65] : memref<2x2x16x80x128xi32, #tpu.memory_space<hbm>> -> memref<1x1x1x40x128xi32, #tpu.memory_space<hbm>>
      %dma_start3A_67 = tpu.memref_squeeze %dma_start3A_66 : memref<1x1x1x40x128xi32, #tpu.memory_space<hbm>> -> memref<40x128xi32, #tpu.memory_space<hbm>>
      %dma_start3A_68 = arith.constant 40 : i32
      %dma_start3A_69 = arith.constant 0 : i32
      %dma_start3A_70 = tpu.memref_slice %arg3[%arg0, %run_scoped3A_30, %arg1, %dma_start3A_68, %dma_start3A_69] : memref<2x2x16x80x128xi32, #tpu.memory_space<hbm>> -> memref<1x1x1x40x128xi32, #tpu.memory_space<hbm>>
      %dma_start3A_71 = tpu.memref_squeeze %dma_start3A_70 : memref<1x1x1x40x128xi32, #tpu.memory_space<hbm>> -> memref<40x128xi32, #tpu.memory_space<hbm>>
      tpu.enqueue_dma source(%dma_start3A_71 : memref<40x128xi32, #tpu.memory_space<hbm>>) target(%arg6 : memref<40x128xi32, #tpu.memory_space<vmem>>) target_semaphore(%run_scoped3A_63 : memref<!tpu.dma_semaphore, #tpu.memory_space<semaphore_mem>>)
      %dma_wait3A = arith.constant 40 : i32
      %dma_wait3A_72 = arith.constant 0 : i32
      %dma_wait3A_73 = tpu.memref_slice %arg3[%arg0, %run_scoped3A_30, %arg1, %dma_wait3A, %dma_wait3A_72] : memref<2x2x16x80x128xi32, #tpu.memory_space<hbm>> -> memref<1x1x1x40x128xi32, #tpu.memory_space<hbm>>
      %dma_wait3A_74 = tpu.memref_squeeze %dma_wait3A_73 : memref<1x1x1x40x128xi32, #tpu.memory_space<hbm>> -> memref<40x128xi32, #tpu.memory_space<hbm>>
      %dma_wait3A_75 = arith.constant 40 : i32
      %dma_wait3A_76 = arith.constant 0 : i32
      %dma_wait3A_77 = tpu.memref_slice %arg3[%arg0, %run_scoped3A_30, %arg1, %dma_wait3A_75, %dma_wait3A_76] : memref<2x2x16x80x128xi32, #tpu.memory_space<hbm>> -> memref<1x1x1x40x128xi32, #tpu.memory_space<hbm>>
      %dma_wait3A_78 = tpu.memref_squeeze %dma_wait3A_77 : memref<1x1x1x40x128xi32, #tpu.memory_space<hbm>> -> memref<40x128xi32, #tpu.memory_space<hbm>>
      tpu.wait_dma2 semaphore(%run_scoped3A_63 : memref<!tpu.dma_semaphore, #tpu.memory_space<semaphore_mem>>) src(%dma_wait3A_78 : memref<40x128xi32, #tpu.memory_space<hbm>>) dst(%arg6 : memref<40x128xi32, #tpu.memory_space<vmem>>)
      tpu.yield
    }) : () -> ()
    %run_scoped3A_31 = arith.constant 1 : i32
    "tpu.region"() ({
      %run_scoped3A_63 = tpu.sem_alloc : memref<!tpu.dma_semaphore, #tpu.memory_space<semaphore_mem>>
      %dma_start3A_64 = arith.constant 40 : i32
      %dma_start3A_65 = arith.constant 0 : i32
      %dma_start3A_66 = tpu.memref_slice %arg3[%arg0, %run_scoped3A_31, %arg1, %dma_start3A_64, %dma_start3A_65] : memref<2x2x16x80x128xi32, #tpu.memory_space<hbm>> -> memref<1x1x1x40x128xi32, #tpu.memory_space<hbm>>
      %dma_start3A_67 = tpu.memref_squeeze %dma_start3A_66 : memref<1x1x1x40x128xi32, #tpu.memory_space<hbm>> -> memref<40x128xi32, #tpu.memory_space<hbm>>
      %dma_start3A_68 = arith.constant 40 : i32
      %dma_start3A_69 = arith.constant 0 : i32
      %dma_start3A_70 = tpu.memref_slice %arg3[%arg0, %run_scoped3A_31, %arg1, %dma_start3A_68, %dma_start3A_69] : memref<2x2x16x80x128xi32, #tpu.memory_space<hbm>> -> memref<1x1x1x40x128xi32, #tpu.memory_space<hbm>>
      %dma_start3A_71 = tpu.memref_squeeze %dma_start3A_70 : memref<1x1x1x40x128xi32, #tpu.memory_space<hbm>> -> memref<40x128xi32, #tpu.memory_space<hbm>>
      tpu.enqueue_dma source(%dma_start3A_71 : memref<40x128xi32, #tpu.memory_space<hbm>>) target(%arg7 : memref<40x128xi32, #tpu.memory_space<vmem>>) target_semaphore(%run_scoped3A_63 : memref<!tpu.dma_semaphore, #tpu.memory_space<semaphore_mem>>)
      %dma_wait3A = arith.constant 40 : i32
      %dma_wait3A_72 = arith.constant 0 : i32
      %dma_wait3A_73 = tpu.memref_slice %arg3[%arg0, %run_scoped3A_31, %arg1, %dma_wait3A, %dma_wait3A_72] : memref<2x2x16x80x128xi32, #tpu.memory_space<hbm>> -> memref<1x1x1x40x128xi32, #tpu.memory_space<hbm>>
      %dma_wait3A_74 = tpu.memref_squeeze %dma_wait3A_73 : memref<1x1x1x40x128xi32, #tpu.memory_space<hbm>> -> memref<40x128xi32, #tpu.memory_space<hbm>>
      %dma_wait3A_75 = arith.constant 40 : i32
      %dma_wait3A_76 = arith.constant 0 : i32
      %dma_wait3A_77 = tpu.memref_slice %arg3[%arg0, %run_scoped3A_31, %arg1, %dma_wait3A_75, %dma_wait3A_76] : memref<2x2x16x80x128xi32, #tpu.memory_space<hbm>> -> memref<1x1x1x40x128xi32, #tpu.memory_space<hbm>>
      %dma_wait3A_78 = tpu.memref_squeeze %dma_wait3A_77 : memref<1x1x1x40x128xi32, #tpu.memory_space<hbm>> -> memref<40x128xi32, #tpu.memory_space<hbm>>
      tpu.wait_dma2 semaphore(%run_scoped3A_63 : memref<!tpu.dma_semaphore, #tpu.memory_space<semaphore_mem>>) src(%dma_wait3A_78 : memref<40x128xi32, #tpu.memory_space<hbm>>) dst(%arg7 : memref<40x128xi32, #tpu.memory_space<vmem>>)
      tpu.yield
    }) : () -> ()
    %dma_start3A_32 = arith.constant 0 : i32
    %dma_start3A_33 = arith.constant 0 : i32
    %dma_start3A_34 = arith.constant 0 : i32
    %dma_start3A_35 = arith.constant 0 : i32
    %dma_start3A_36 = tpu.memref_slice %arg8[%dma_start3A_33, %dma_start3A_34, %dma_start3A_35] : memref<2x128x128xf32, #tpu.memory_space<vmem>> -> memref<1x128x128xf32, #tpu.memory_space<vmem>>
    %dma_start3A_37 = tpu.memref_squeeze %dma_start3A_36 : memref<1x128x128xf32, #tpu.memory_space<vmem>> -> memref<128x128xf32, #tpu.memory_space<vmem>>
    %dma_start3A_38 = arith.constant 0 : i32
    %dma_start3A_39 = tpu.memref_slice %arg6[%dma_start3A_32, %dma_start3A_38] : memref<40x128xi32, #tpu.memory_space<vmem>> -> memref<1x128xi32, #tpu.memory_space<vmem>>
    %dma_start3A_40 = tpu.memref_squeeze %dma_start3A_39 : memref<1x128xi32, #tpu.memory_space<vmem>> -> memref<128xi32, #tpu.memory_space<vmem>>
    %dma_start3A_41 = arith.constant 0 : i32
    %dma_start3A_42 = arith.constant 0 : i32
    %dma_start3A_43 = tpu.memref_slice %arg2[%dma_start3A_41, %dma_start3A_42] : memref<10000x128xf32, #tpu.memory_space<hbm>> -> memref<10000x128xf32, #tpu.memory_space<hbm>>
    tpu.enqueue_indirect_dma source(%dma_start3A_43 : memref<10000x128xf32, #tpu.memory_space<hbm>>) target(%dma_start3A_37 : memref<128x128xf32, #tpu.memory_space<vmem>>) offsets(%dma_start3A_40 : memref<128xi32, #tpu.memory_space<vmem>>) semaphore(%arg10 : memref<!tpu.dma_semaphore, #tpu.memory_space<semaphore_mem>>)
    %dma_start3A_44 = arith.constant 1 : i32
    %dma_start3A_45 = arith.constant 1 : i32
    %dma_start3A_46 = arith.constant 0 : i32
    %dma_start3A_47 = arith.constant 0 : i32
    %dma_start3A_48 = tpu.memref_slice %arg8[%dma_start3A_45, %dma_start3A_46, %dma_start3A_47] : memref<2x128x128xf32, #tpu.memory_space<vmem>> -> memref<1x128x128xf32, #tpu.memory_space<vmem>>
    %dma_start3A_49 = tpu.memref_squeeze %dma_start3A_48 : memref<1x128x128xf32, #tpu.memory_space<vmem>> -> memref<128x128xf32, #tpu.memory_space<vmem>>
    %dma_start3A_50 = arith.constant 0 : i32
    %dma_start3A_51 = tpu.memref_slice %arg6[%dma_start3A_44, %dma_start3A_50] : memref<40x128xi32, #tpu.memory_space<vmem>> -> memref<1x128xi32, #tpu.memory_space<vmem>>
    %dma_start3A_52 = tpu.memref_squeeze %dma_start3A_51 : memref<1x128xi32, #tpu.memory_space<vmem>> -> memref<128xi32, #tpu.memory_space<vmem>>
    %dma_start3A_53 = arith.constant 0 : i32
    %dma_start3A_54 = arith.constant 0 : i32
    %dma_start3A_55 = tpu.memref_slice %arg2[%dma_start3A_53, %dma_start3A_54] : memref<10000x128xf32, #tpu.memory_space<hbm>> -> memref<10000x128xf32, #tpu.memory_space<hbm>>
    tpu.enqueue_indirect_dma source(%dma_start3A_55 : memref<10000x128xf32, #tpu.memory_space<hbm>>) target(%dma_start3A_49 : memref<128x128xf32, #tpu.memory_space<vmem>>) offsets(%dma_start3A_52 : memref<128xi32, #tpu.memory_space<vmem>>) semaphore(%arg11 : memref<!tpu.dma_semaphore, #tpu.memory_space<semaphore_mem>>)
    %scan3A_56 = arith.constant 0 : i32
    %scan3A_57 = arith.constant 0 : i32
    %scan3A_58 = arith.constant 20 : i32
    %scan3A_59 = arith.addi %scan3A_57, %scan3A_58 : i32
    %scan3A_60 = arith.constant 1 : i32
    scf.for %scan3A_63 = %scan3A_57 to %scan3A_59 step %scan3A_60  : i32 {
      %mul3A_64 = arith.constant 2 : i32
      %mul3A_65 = arith.muli %scan3A_63, %mul3A_64 : i32
      %dma_wait3A = arith.constant 0 : i32
      %dma_wait3A_66 = arith.constant 0 : i32
      %dma_wait3A_67 = arith.constant 0 : i32
      %dma_wait3A_68 = tpu.memref_slice %arg8[%dma_wait3A, %dma_wait3A_66, %dma_wait3A_67] : memref<2x128x128xf32, #tpu.memory_space<vmem>> -> memref<1x128x128xf32, #tpu.memory_space<vmem>>
      %dma_wait3A_69 = tpu.memref_squeeze %dma_wait3A_68 : memref<1x128x128xf32, #tpu.memory_space<vmem>> -> memref<128x128xf32, #tpu.memory_space<vmem>>
      %dma_wait3A_70 = arith.constant 0 : i32
      %dma_wait3A_71 = tpu.memref_slice %arg6[%mul3A_65, %dma_wait3A_70] : memref<40x128xi32, #tpu.memory_space<vmem>> -> memref<1x128xi32, #tpu.memory_space<vmem>>
      %dma_wait3A_72 = tpu.memref_squeeze %dma_wait3A_71 : memref<1x128xi32, #tpu.memory_space<vmem>> -> memref<128xi32, #tpu.memory_space<vmem>>
      %dma_wait3A_73 = arith.constant 0 : i32
      %dma_wait3A_74 = arith.constant 0 : i32
      %dma_wait3A_75 = tpu.memref_slice %arg2[%dma_wait3A_73, %dma_wait3A_74] : memref<10000x128xf32, #tpu.memory_space<hbm>> -> memref<10000x128xf32, #tpu.memory_space<hbm>>
      tpu.wait_indirect_dma semaphore(%arg10 : memref<!tpu.dma_semaphore, #tpu.memory_space<semaphore_mem>>) src(%dma_wait3A_75 : memref<10000x128xf32, #tpu.memory_space<hbm>>) dst(%dma_wait3A_69 : memref<128x128xf32, #tpu.memory_space<vmem>>)
      %run_scoped3A_76 = arith.constant 0 : i32
      "tpu.region"() ({
        %run_scoped3A_103 = tpu.sem_alloc : memref<!tpu.dma_semaphore, #tpu.memory_space<semaphore_mem>>
        %dma_start3A_104 = arith.constant 0 : i32
        %dma_start3A_105 = arith.constant 0 : i32
        %dma_start3A_106 = tpu.memref_slice %arg8[%run_scoped3A_76, %dma_start3A_104, %dma_start3A_105] : memref<2x128x128xf32, #tpu.memory_space<vmem>> -> memref<1x128x128xf32, #tpu.memory_space<vmem>>
        %dma_start3A_107 = tpu.memref_squeeze %dma_start3A_106 : memref<1x128x128xf32, #tpu.memory_space<vmem>> -> memref<128x128xf32, #tpu.memory_space<vmem>>
        %dma_start3A_108 = arith.constant 0 : i32
        %dma_start3A_109 = tpu.memref_slice %arg7[%mul3A_65, %dma_start3A_108] : memref<40x128xi32, #tpu.memory_space<vmem>> -> memref<1x128xi32, #tpu.memory_space<vmem>>
        %dma_start3A_110 = tpu.memref_squeeze %dma_start3A_109 : memref<1x128xi32, #tpu.memory_space<vmem>> -> memref<128xi32, #tpu.memory_space<vmem>>
        %dma_start3A_111 = arith.constant 0 : i32
        %dma_start3A_112 = arith.constant 0 : i32
        %dma_start3A_113 = tpu.memref_slice %arg9[%dma_start3A_111, %dma_start3A_112] : memref<10240x128xf32, #tpu.memory_space<vmem_shared>> -> memref<10240x128xf32, #tpu.memory_space<vmem_shared>>
        tpu.enqueue_indirect_dma source(%dma_start3A_107 : memref<128x128xf32, #tpu.memory_space<vmem>>) target(%dma_start3A_113 : memref<10240x128xf32, #tpu.memory_space<vmem_shared>>) offsets(%dma_start3A_110 : memref<128xi32, #tpu.memory_space<vmem>>) semaphore(%run_scoped3A_103 : memref<!tpu.dma_semaphore, #tpu.memory_space<semaphore_mem>>) {add = true}
        %dma_wait3A_114 = arith.constant 0 : i32
        %dma_wait3A_115 = arith.constant 0 : i32
        %dma_wait3A_116 = tpu.memref_slice %arg8[%run_scoped3A_76, %dma_wait3A_114, %dma_wait3A_115] : memref<2x128x128xf32, #tpu.memory_space<vmem>> -> memref<1x128x128xf32, #tpu.memory_space<vmem>>
        %dma_wait3A_117 = tpu.memref_squeeze %dma_wait3A_116 : memref<1x128x128xf32, #tpu.memory_space<vmem>> -> memref<128x128xf32, #tpu.memory_space<vmem>>
        %dma_wait3A_118 = arith.constant 0 : i32
        %dma_wait3A_119 = tpu.memref_slice %arg7[%mul3A_65, %dma_wait3A_118] : memref<40x128xi32, #tpu.memory_space<vmem>> -> memref<1x128xi32, #tpu.memory_space<vmem>>
        %dma_wait3A_120 = tpu.memref_squeeze %dma_wait3A_119 : memref<1x128xi32, #tpu.memory_space<vmem>> -> memref<128xi32, #tpu.memory_space<vmem>>
        %dma_wait3A_121 = arith.constant 0 : i32
        %dma_wait3A_122 = arith.constant 0 : i32
        %dma_wait3A_123 = tpu.memref_slice %arg9[%dma_wait3A_121, %dma_wait3A_122] : memref<10240x128xf32, #tpu.memory_space<vmem_shared>> -> memref<10240x128xf32, #tpu.memory_space<vmem_shared>>
        tpu.wait_indirect_dma semaphore(%run_scoped3A_103 : memref<!tpu.dma_semaphore, #tpu.memory_space<semaphore_mem>>) src(%dma_wait3A_117 : memref<128x128xf32, #tpu.memory_space<vmem>>) dst(%dma_wait3A_123 : memref<10240x128xf32, #tpu.memory_space<vmem_shared>>)
        tpu.yield
      }) : () -> ()
      %add3A = arith.constant 2 : i32
      %add3A_77 = arith.addi %mul3A_65, %add3A : i32
      %lt3A = arith.constant 40 : i32
      %lt3A_78 = arith.cmpi slt, %add3A_77, %lt3A : i32
      %convert_element_type3A = arith.extui %lt3A_78 : i1 to i32
      %cond3A = arith.constant 0 : i32
      %cond3A_79 = arith.cmpi ne, %convert_element_type3A, %cond3A : i32
      scf.if %cond3A_79 {
        %add3A_103 = arith.constant 2 : i32
        %add3A_104 = arith.addi %mul3A_65, %add3A_103 : i32
        %dma_start3A_105 = arith.constant 0 : i32
        %dma_start3A_106 = arith.constant 0 : i32
        %dma_start3A_107 = arith.constant 0 : i32
        %dma_start3A_108 = tpu.memref_slice %arg8[%dma_start3A_105, %dma_start3A_106, %dma_start3A_107] : memref<2x128x128xf32, #tpu.memory_space<vmem>> -> memref<1x128x128xf32, #tpu.memory_space<vmem>>
        %dma_start3A_109 = tpu.memref_squeeze %dma_start3A_108 : memref<1x128x128xf32, #tpu.memory_space<vmem>> -> memref<128x128xf32, #tpu.memory_space<vmem>>
        %dma_start3A_110 = arith.constant 0 : i32
        %dma_start3A_111 = tpu.memref_slice %arg6[%add3A_104, %dma_start3A_110] : memref<40x128xi32, #tpu.memory_space<vmem>> -> memref<1x128xi32, #tpu.memory_space<vmem>>
        %dma_start3A_112 = tpu.memref_squeeze %dma_start3A_111 : memref<1x128xi32, #tpu.memory_space<vmem>> -> memref<128xi32, #tpu.memory_space<vmem>>
        %dma_start3A_113 = arith.constant 0 : i32
        %dma_start3A_114 = arith.constant 0 : i32
        %dma_start3A_115 = tpu.memref_slice %arg2[%dma_start3A_113, %dma_start3A_114] : memref<10000x128xf32, #tpu.memory_space<hbm>> -> memref<10000x128xf32, #tpu.memory_space<hbm>>
        tpu.enqueue_indirect_dma source(%dma_start3A_115 : memref<10000x128xf32, #tpu.memory_space<hbm>>) target(%dma_start3A_109 : memref<128x128xf32, #tpu.memory_space<vmem>>) offsets(%dma_start3A_112 : memref<128xi32, #tpu.memory_space<vmem>>) semaphore(%arg10 : memref<!tpu.dma_semaphore, #tpu.memory_space<semaphore_mem>>)
      } else {
      }
      %mul3A_80 = arith.constant 2 : i32
      %mul3A_81 = arith.muli %scan3A_63, %mul3A_80 : i32
      %add3A_82 = arith.constant 1 : i32
      %add3A_83 = arith.addi %mul3A_81, %add3A_82 : i32
      %dma_wait3A_84 = arith.constant 1 : i32
      %dma_wait3A_85 = arith.constant 0 : i32
      %dma_wait3A_86 = arith.constant 0 : i32
      %dma_wait3A_87 = tpu.memref_slice %arg8[%dma_wait3A_84, %dma_wait3A_85, %dma_wait3A_86] : memref<2x128x128xf32, #tpu.memory_space<vmem>> -> memref<1x128x128xf32, #tpu.memory_space<vmem>>
      %dma_wait3A_88 = tpu.memref_squeeze %dma_wait3A_87 : memref<1x128x128xf32, #tpu.memory_space<vmem>> -> memref<128x128xf32, #tpu.memory_space<vmem>>
      %dma_wait3A_89 = arith.constant 0 : i32
      %dma_wait3A_90 = tpu.memref_slice %arg6[%add3A_83, %dma_wait3A_89] : memref<40x128xi32, #tpu.memory_space<vmem>> -> memref<1x128xi32, #tpu.memory_space<vmem>>
      %dma_wait3A_91 = tpu.memref_squeeze %dma_wait3A_90 : memref<1x128xi32, #tpu.memory_space<vmem>> -> memref<128xi32, #tpu.memory_space<vmem>>
      %dma_wait3A_92 = arith.constant 0 : i32
      %dma_wait3A_93 = arith.constant 0 : i32
      %dma_wait3A_94 = tpu.memref_slice %arg2[%dma_wait3A_92, %dma_wait3A_93] : memref<10000x128xf32, #tpu.memory_space<hbm>> -> memref<10000x128xf32, #tpu.memory_space<hbm>>
      tpu.wait_indirect_dma semaphore(%arg11 : memref<!tpu.dma_semaphore, #tpu.memory_space<semaphore_mem>>) src(%dma_wait3A_94 : memref<10000x128xf32, #tpu.memory_space<hbm>>) dst(%dma_wait3A_88 : memref<128x128xf32, #tpu.memory_space<vmem>>)
      %run_scoped3A_95 = arith.constant 1 : i32
      "tpu.region"() ({
        %run_scoped3A_103 = tpu.sem_alloc : memref<!tpu.dma_semaphore, #tpu.memory_space<semaphore_mem>>
        %dma_start3A_104 = arith.constant 0 : i32
        %dma_start3A_105 = arith.constant 0 : i32
        %dma_start3A_106 = tpu.memref_slice %arg8[%run_scoped3A_95, %dma_start3A_104, %dma_start3A_105] : memref<2x128x128xf32, #tpu.memory_space<vmem>> -> memref<1x128x128xf32, #tpu.memory_space<vmem>>
        %dma_start3A_107 = tpu.memref_squeeze %dma_start3A_106 : memref<1x128x128xf32, #tpu.memory_space<vmem>> -> memref<128x128xf32, #tpu.memory_space<vmem>>
        %dma_start3A_108 = arith.constant 0 : i32
        %dma_start3A_109 = tpu.memref_slice %arg7[%add3A_83, %dma_start3A_108] : memref<40x128xi32, #tpu.memory_space<vmem>> -> memref<1x128xi32, #tpu.memory_space<vmem>>
        %dma_start3A_110 = tpu.memref_squeeze %dma_start3A_109 : memref<1x128xi32, #tpu.memory_space<vmem>> -> memref<128xi32, #tpu.memory_space<vmem>>
        %dma_start3A_111 = arith.constant 0 : i32
        %dma_start3A_112 = arith.constant 0 : i32
        %dma_start3A_113 = tpu.memref_slice %arg9[%dma_start3A_111, %dma_start3A_112] : memref<10240x128xf32, #tpu.memory_space<vmem_shared>> -> memref<10240x128xf32, #tpu.memory_space<vmem_shared>>
        tpu.enqueue_indirect_dma source(%dma_start3A_107 : memref<128x128xf32, #tpu.memory_space<vmem>>) target(%dma_start3A_113 : memref<10240x128xf32, #tpu.memory_space<vmem_shared>>) offsets(%dma_start3A_110 : memref<128xi32, #tpu.memory_space<vmem>>) semaphore(%run_scoped3A_103 : memref<!tpu.dma_semaphore, #tpu.memory_space<semaphore_mem>>) {add = true}
        %dma_wait3A_114 = arith.constant 0 : i32
        %dma_wait3A_115 = arith.constant 0 : i32
        %dma_wait3A_116 = tpu.memref_slice %arg8[%run_scoped3A_95, %dma_wait3A_114, %dma_wait3A_115] : memref<2x128x128xf32, #tpu.memory_space<vmem>> -> memref<1x128x128xf32, #tpu.memory_space<vmem>>
        %dma_wait3A_117 = tpu.memref_squeeze %dma_wait3A_116 : memref<1x128x128xf32, #tpu.memory_space<vmem>> -> memref<128x128xf32, #tpu.memory_space<vmem>>
        %dma_wait3A_118 = arith.constant 0 : i32
        %dma_wait3A_119 = tpu.memref_slice %arg7[%add3A_83, %dma_wait3A_118] : memref<40x128xi32, #tpu.memory_space<vmem>> -> memref<1x128xi32, #tpu.memory_space<vmem>>
        %dma_wait3A_120 = tpu.memref_squeeze %dma_wait3A_119 : memref<1x128xi32, #tpu.memory_space<vmem>> -> memref<128xi32, #tpu.memory_space<vmem>>
        %dma_wait3A_121 = arith.constant 0 : i32
        %dma_wait3A_122 = arith.constant 0 : i32
        %dma_wait3A_123 = tpu.memref_slice %arg9[%dma_wait3A_121, %dma_wait3A_122] : memref<10240x128xf32, #tpu.memory_space<vmem_shared>> -> memref<10240x128xf32, #tpu.memory_space<vmem_shared>>
        tpu.wait_indirect_dma semaphore(%run_scoped3A_103 : memref<!tpu.dma_semaphore, #tpu.memory_space<semaphore_mem>>) src(%dma_wait3A_117 : memref<128x128xf32, #tpu.memory_space<vmem>>) dst(%dma_wait3A_123 : memref<10240x128xf32, #tpu.memory_space<vmem_shared>>)
        tpu.yield
      }) : () -> ()
      %add3A_96 = arith.constant 2 : i32
      %add3A_97 = arith.addi %add3A_83, %add3A_96 : i32
      %lt3A_98 = arith.constant 40 : i32
      %lt3A_99 = arith.cmpi slt, %add3A_97, %lt3A_98 : i32
      %convert_element_type3A_100 = arith.extui %lt3A_99 : i1 to i32
      %cond3A_101 = arith.constant 0 : i32
      %cond3A_102 = arith.cmpi ne, %convert_element_type3A_100, %cond3A_101 : i32
      scf.if %cond3A_102 {
        %add3A_103 = arith.constant 2 : i32
        %add3A_104 = arith.addi %add3A_83, %add3A_103 : i32
        %dma_start3A_105 = arith.constant 1 : i32
        %dma_start3A_106 = arith.constant 0 : i32
        %dma_start3A_107 = arith.constant 0 : i32
        %dma_start3A_108 = tpu.memref_slice %arg8[%dma_start3A_105, %dma_start3A_106, %dma_start3A_107] : memref<2x128x128xf32, #tpu.memory_space<vmem>> -> memref<1x128x128xf32, #tpu.memory_space<vmem>>
        %dma_start3A_109 = tpu.memref_squeeze %dma_start3A_108 : memref<1x128x128xf32, #tpu.memory_space<vmem>> -> memref<128x128xf32, #tpu.memory_space<vmem>>
        %dma_start3A_110 = arith.constant 0 : i32
        %dma_start3A_111 = tpu.memref_slice %arg6[%add3A_104, %dma_start3A_110] : memref<40x128xi32, #tpu.memory_space<vmem>> -> memref<1x128xi32, #tpu.memory_space<vmem>>
        %dma_start3A_112 = tpu.memref_squeeze %dma_start3A_111 : memref<1x128xi32, #tpu.memory_space<vmem>> -> memref<128xi32, #tpu.memory_space<vmem>>
        %dma_start3A_113 = arith.constant 0 : i32
        %dma_start3A_114 = arith.constant 0 : i32
        %dma_start3A_115 = tpu.memref_slice %arg2[%dma_start3A_113, %dma_start3A_114] : memref<10000x128xf32, #tpu.memory_space<hbm>> -> memref<10000x128xf32, #tpu.memory_space<hbm>>
        tpu.enqueue_indirect_dma source(%dma_start3A_115 : memref<10000x128xf32, #tpu.memory_space<hbm>>) target(%dma_start3A_109 : memref<128x128xf32, #tpu.memory_space<vmem>>) offsets(%dma_start3A_112 : memref<128xi32, #tpu.memory_space<vmem>>) semaphore(%arg11 : memref<!tpu.dma_semaphore, #tpu.memory_space<semaphore_mem>>)
      } else {
      }
    }
    %scan3A_61 = arith.constant 20 : i32
    %barrier3A_62 = arith.constant 0 : index
    tpu.barrier barrier_id(%barrier3A_62)
    "tpu.region"() ({
      %run_scoped3A_63 = tpu.sem_alloc : memref<!tpu.dma_semaphore, #tpu.memory_space<semaphore_mem>>
      %dma_start3A_64 = arith.constant 0 : i32
      %dma_start3A_65 = tpu.memref_slice %arg5[%arg0, %mul3A_24, %dma_start3A_64] : memref<2x10240x128xf32, #tpu.memory_space<hbm>> -> memref<1x640x128xf32, #tpu.memory_space<hbm>>
      %dma_start3A_66 = tpu.memref_squeeze %dma_start3A_65 : memref<1x640x128xf32, #tpu.memory_space<hbm>> -> memref<640x128xf32, #tpu.memory_space<hbm>>
      %dma_start3A_67 = arith.constant 0 : i32
      %dma_start3A_68 = tpu.memref_slice %arg9[%mul3A_24, %dma_start3A_67] : memref<10240x128xf32, #tpu.memory_space<vmem_shared>> -> memref<640x128xf32, #tpu.memory_space<vmem_shared>>
      tpu.enqueue_dma source(%dma_start3A_68 : memref<640x128xf32, #tpu.memory_space<vmem_shared>>) target(%dma_start3A_66 : memref<640x128xf32, #tpu.memory_space<hbm>>) target_semaphore(%run_scoped3A_63 : memref<!tpu.dma_semaphore, #tpu.memory_space<semaphore_mem>>)
      %dma_wait3A = arith.constant 0 : i32
      %dma_wait3A_69 = tpu.memref_slice %arg5[%arg0, %mul3A_24, %dma_wait3A] : memref<2x10240x128xf32, #tpu.memory_space<hbm>> -> memref<1x640x128xf32, #tpu.memory_space<hbm>>
      %dma_wait3A_70 = tpu.memref_squeeze %dma_wait3A_69 : memref<1x640x128xf32, #tpu.memory_space<hbm>> -> memref<640x128xf32, #tpu.memory_space<hbm>>
      %dma_wait3A_71 = arith.constant 0 : i32
      %dma_wait3A_72 = tpu.memref_slice %arg9[%mul3A_24, %dma_wait3A_71] : memref<10240x128xf32, #tpu.memory_space<vmem_shared>> -> memref<640x128xf32, #tpu.memory_space<vmem_shared>>
      tpu.wait_dma2 semaphore(%run_scoped3A_63 : memref<!tpu.dma_semaphore, #tpu.memory_space<semaphore_mem>>) src(%dma_wait3A_72 : memref<640x128xf32, #tpu.memory_space<vmem_shared>>) dst(%dma_wait3A_70 : memref<640x128xf32, #tpu.memory_space<hbm>>)
      tpu.yield
    }) : () -> ()
    return
  }
}

module attributes {stable_mosaic.version = 14 : i64} {
  func.func @body(%arg0: i32, %arg1: memref<1000x128xf32, #tpu.memory_space<vmem>>, %arg2: memref<2x1000x128xf32, #tpu.memory_space<vmem>>, %arg3: memref<128x128xf32, #tpu.memory_space<vmem>>, %arg4: memref<1x128xf32, #tpu.memory_space<vmem>>, %arg5: memref<128x128xf32, #tpu.memory_space<vmem>>, %arg6: memref<1x128xf32, #tpu.memory_space<vmem>>, %arg7: memref<128x64xf32, #tpu.memory_space<vmem>>, %arg8: memref<1x64xf32, #tpu.memory_space<vmem>>, %arg9: memref<64x1xf32, #tpu.memory_space<vmem>>, %arg10: memref<2x1000x128xf32, #tpu.memory_space<vmem>>, %arg11: memref<2xf32, #tpu.memory_space<smem>>) attributes {dimension_semantics = [#tpu.dimension_semantics<arbitrary>], iteration_bounds = array<i64: 10>, scalar_prefetch = 0 : i64, scratch_operands = 0 : i64, tpu.core_type = #tpu.core_type<tc>, window_params = [{transform_indices = @transform_0, window_bounds = array<i64: 1000, 128>}, {transform_indices = @transform_1, window_bounds = array<i64: 2, 1000, 128>}, {pipeline_mode = #tpu.pipeline_mode<synchronous>, transform_indices = @transform_2, window_bounds = array<i64: 128, 128>}, {pipeline_mode = #tpu.pipeline_mode<synchronous>, transform_indices = @transform_3, window_bounds = array<i64: 1, 128>}, {pipeline_mode = #tpu.pipeline_mode<synchronous>, transform_indices = @transform_4, window_bounds = array<i64: 128, 128>}, {pipeline_mode = #tpu.pipeline_mode<synchronous>, transform_indices = @transform_5, window_bounds = array<i64: 1, 128>}, {pipeline_mode = #tpu.pipeline_mode<synchronous>, transform_indices = @transform_6, window_bounds = array<i64: 128, 64>}, {pipeline_mode = #tpu.pipeline_mode<synchronous>, transform_indices = @transform_7, window_bounds = array<i64: 1, 64>}, {pipeline_mode = #tpu.pipeline_mode<synchronous>, transform_indices = @transform_8, window_bounds = array<i64: 64, 1>}, {transform_indices = @transform_9, window_bounds = array<i64: 2, 1000, 128>}, {transform_indices = @transform_10, window_bounds = array<i64: 2>}]} {
    %eq3A = arith.constant 0 : i32
    %eq3A_0 = arith.cmpi eq, %arg0, %eq3A : i32
    %convert_element_type3A = arith.extui %eq3A_0 : i1 to i32
    %cond3A = arith.constant 0 : i32
    %cond3A_1 = arith.cmpi ne, %convert_element_type3A, %cond3A : i32
    scf.if %cond3A_1 {
      %swap3A_126 = arith.constant 0.000000e+00 : f32
      %swap3A_127 = arith.constant 0 : index
      %swap3A_128 = memref.load %arg11[%swap3A_127] : memref<2xf32, #tpu.memory_space<smem>>
      memref.store %swap3A_126, %arg11[%swap3A_127] : memref<2xf32, #tpu.memory_space<smem>>
      %swap3A_129 = arith.constant 0.000000e+00 : f32
      %swap3A_130 = arith.constant 1 : index
      %swap3A_131 = memref.load %arg11[%swap3A_130] : memref<2xf32, #tpu.memory_space<smem>>
      memref.store %swap3A_129, %arg11[%swap3A_130] : memref<2xf32, #tpu.memory_space<smem>>
    } else {
    }
    %get3A = arith.constant 0 : index
    %get3A_2 = arith.constant 0 : index
    %get3A_3 = vector.load %arg1[%get3A, %get3A_2] : memref<1000x128xf32, #tpu.memory_space<vmem>>, vector<1000x128xf32>
    %get3A_4 = arith.constant 0 : index
    %get3A_5 = arith.constant 0 : index
    %get3A_6 = arith.constant 0 : index
    %get3A_7 = vector.load %arg2[%get3A_4, %get3A_5, %get3A_6] : memref<2x1000x128xf32, #tpu.memory_space<vmem>>, vector<1x1000x128xf32>
    %get3A_8 = vector.shape_cast %get3A_7 : vector<1x1000x128xf32> to vector<1000x128xf32>
    %add3A = arith.addf %get3A_3, %get3A_8 : vector<1000x128xf32>
    %get3A_9 = arith.constant 0 : index
    %get3A_10 = arith.constant 0 : index
    %get3A_11 = vector.load %arg3[%get3A_9, %get3A_10] : memref<128x128xf32, #tpu.memory_space<vmem>>, vector<128x128xf32>
    %dot_general3A = arith.constant dense<0.000000e+00> : vector<1000x128xf32>
    %dot_general3A_12 = tpu.matmul %add3A, %get3A_11, %dot_general3A {dimension_numbers = #tpu.dot_dimension_numbers<[1], [0], [0], [1], [0, 0, 1, 1], [], []>, transpose_lhs_hint = false} : vector<1000x128xf32>, vector<128x128xf32>, vector<1000x128xf32> -> vector<1000x128xf32>
    %get3A_13 = arith.constant 0 : index
    %get3A_14 = arith.constant 0 : index
    %get3A_15 = vector.load %arg4[%get3A_13, %get3A_14] : memref<1x128xf32, #tpu.memory_space<vmem>>, vector<1x128xf32>
    %add3A_16 = vector.broadcast %get3A_15 : vector<1x128xf32> to vector<1000x128xf32>
    %add3A_17 = arith.addf %dot_general3A_12, %add3A_16 : vector<1000x128xf32>
    %max3A = arith.constant 0.000000e+00 : f32
    %max3A_18 = vector.broadcast %max3A : f32 to vector<1000x128xf32>
    %max3A_19 = arith.maximumf %add3A_17, %max3A_18 : vector<1000x128xf32>
    %get3A_20 = arith.constant 0 : index
    %get3A_21 = arith.constant 0 : index
    %get3A_22 = vector.load %arg5[%get3A_20, %get3A_21] : memref<128x128xf32, #tpu.memory_space<vmem>>, vector<128x128xf32>
    %dot_general3A_23 = arith.constant dense<0.000000e+00> : vector<1000x128xf32>
    %dot_general3A_24 = tpu.matmul %max3A_19, %get3A_22, %dot_general3A_23 {dimension_numbers = #tpu.dot_dimension_numbers<[1], [0], [0], [1], [0, 0, 1, 1], [], []>, transpose_lhs_hint = false} : vector<1000x128xf32>, vector<128x128xf32>, vector<1000x128xf32> -> vector<1000x128xf32>
    %get3A_25 = arith.constant 0 : index
    %get3A_26 = arith.constant 0 : index
    %get3A_27 = vector.load %arg6[%get3A_25, %get3A_26] : memref<1x128xf32, #tpu.memory_space<vmem>>, vector<1x128xf32>
    %add3A_28 = vector.broadcast %get3A_27 : vector<1x128xf32> to vector<1000x128xf32>
    %add3A_29 = arith.addf %dot_general3A_24, %add3A_28 : vector<1000x128xf32>
    %max3A_30 = arith.constant 0.000000e+00 : f32
    %max3A_31 = vector.broadcast %max3A_30 : f32 to vector<1000x128xf32>
    %max3A_32 = arith.maximumf %add3A_29, %max3A_31 : vector<1000x128xf32>
    %swap3A = arith.constant 0 : index
    %swap3A_33 = arith.constant 0 : index
    %swap3A_34 = arith.constant 0 : index
    %swap3A_35 = vector.load %arg10[%swap3A, %swap3A_33, %swap3A_34] : memref<2x1000x128xf32, #tpu.memory_space<vmem>>, vector<1x1000x128xf32>
    %swap3A_36 = vector.shape_cast %swap3A_35 : vector<1x1000x128xf32> to vector<1000x128xf32>
    %swap3A_37 = vector.shape_cast %max3A_32 : vector<1000x128xf32> to vector<1x1000x128xf32>
    tpu.vector_store %arg10[%swap3A, %swap3A_33, %swap3A_34], %swap3A_37 {strides = array<i32>} : memref<2x1000x128xf32, #tpu.memory_space<vmem>>, vector<1x1000x128xf32>,
    %get3A_38 = arith.constant 0 : index
    %get3A_39 = arith.constant 0 : index
    %get3A_40 = vector.load %arg7[%get3A_38, %get3A_39] : memref<128x64xf32, #tpu.memory_space<vmem>>, vector<128x64xf32>
    %dot_general3A_41 = arith.constant dense<0.000000e+00> : vector<1000x64xf32>
    %dot_general3A_42 = tpu.matmul %max3A_32, %get3A_40, %dot_general3A_41 {dimension_numbers = #tpu.dot_dimension_numbers<[1], [0], [0], [1], [0, 0, 1, 1], [], []>, transpose_lhs_hint = false} : vector<1000x128xf32>, vector<128x64xf32>, vector<1000x64xf32> -> vector<1000x64xf32>
    %get3A_43 = arith.constant 0 : index
    %get3A_44 = arith.constant 0 : index
    %get3A_45 = vector.load %arg8[%get3A_43, %get3A_44] : memref<1x64xf32, #tpu.memory_space<vmem>>, vector<1x64xf32>
    %add3A_46 = vector.broadcast %get3A_45 : vector<1x64xf32> to vector<1000x64xf32>
    %add3A_47 = arith.addf %dot_general3A_42, %add3A_46 : vector<1000x64xf32>
    %tanh3A = math.tanh %add3A_47 : vector<1000x64xf32>
    %get3A_48 = arith.constant 0 : index
    %get3A_49 = memref.load %arg11[%get3A_48] : memref<2xf32, #tpu.memory_space<smem>>
    %get3A_50 = arith.constant 0 : index
    %get3A_51 = arith.constant 0 : index
    %get3A_52 = vector.load %arg9[%get3A_50, %get3A_51] : memref<64x1xf32, #tpu.memory_space<vmem>>, vector<64x1xf32>
    %dot_general3A_53 = arith.constant dense<0.000000e+00> : vector<1000x1xf32>
    %dot_general3A_54 = tpu.matmul %tanh3A, %get3A_52, %dot_general3A_53 {dimension_numbers = #tpu.dot_dimension_numbers<[1], [0], [0], [1], [0, 0, 1, 1], [], []>, transpose_lhs_hint = false} : vector<1000x64xf32>, vector<64x1xf32>, vector<1000x1xf32> -> vector<1000x1xf32>
    %reduce_sum3A = vector.shape_cast %dot_general3A_54 : vector<1000x1xf32> to vector<1x1000x1xf32>
    %reduce_sum3A_55 = arith.constant dense<0.000000e+00> : vector<1xf32>
    %reduce_sum3A_56 = vector.multi_reduction <add>, %reduce_sum3A, %reduce_sum3A_55 [1, 2] : vector<1x1000x1xf32> to vector<1xf32>
    %reduce_sum3A_57 = vector.shape_cast %reduce_sum3A_56 : vector<1xf32> to vector<1x1x1xf32>
    %reduce_sum3A_58 = vector.extract %reduce_sum3A_57[0, 0, 0] : f32 from vector<1x1x1xf32>
    %add3A_59 = arith.addf %get3A_49, %reduce_sum3A_58 : f32
    %swap3A_60 = arith.constant 0 : index
    %swap3A_61 = memref.load %arg11[%swap3A_60] : memref<2xf32, #tpu.memory_space<smem>>
    memref.store %add3A_59, %arg11[%swap3A_60] : memref<2xf32, #tpu.memory_space<smem>>
    %get3A_62 = arith.constant 1 : index
    %get3A_63 = arith.constant 0 : index
    %get3A_64 = arith.constant 0 : index
    %get3A_65 = vector.load %arg2[%get3A_62, %get3A_63, %get3A_64] : memref<2x1000x128xf32, #tpu.memory_space<vmem>>, vector<1x1000x128xf32>
    %get3A_66 = vector.shape_cast %get3A_65 : vector<1x1000x128xf32> to vector<1000x128xf32>
    %add3A_67 = arith.addf %get3A_3, %get3A_66 : vector<1000x128xf32>
    %get3A_68 = arith.constant 0 : index
    %get3A_69 = arith.constant 0 : index
    %get3A_70 = vector.load %arg3[%get3A_68, %get3A_69] : memref<128x128xf32, #tpu.memory_space<vmem>>, vector<128x128xf32>
    %dot_general3A_71 = arith.constant dense<0.000000e+00> : vector<1000x128xf32>
    %dot_general3A_72 = tpu.matmul %add3A_67, %get3A_70, %dot_general3A_71 {dimension_numbers = #tpu.dot_dimension_numbers<[1], [0], [0], [1], [0, 0, 1, 1], [], []>, transpose_lhs_hint = false} : vector<1000x128xf32>, vector<128x128xf32>, vector<1000x128xf32> -> vector<1000x128xf32>
    %get3A_73 = arith.constant 0 : index
    %get3A_74 = arith.constant 0 : index
    %get3A_75 = vector.load %arg4[%get3A_73, %get3A_74] : memref<1x128xf32, #tpu.memory_space<vmem>>, vector<1x128xf32>
    %add3A_76 = vector.broadcast %get3A_75 : vector<1x128xf32> to vector<1000x128xf32>
    %add3A_77 = arith.addf %dot_general3A_72, %add3A_76 : vector<1000x128xf32>
    %max3A_78 = arith.constant 0.000000e+00 : f32
    %max3A_79 = vector.broadcast %max3A_78 : f32 to vector<1000x128xf32>
    %max3A_80 = arith.maximumf %add3A_77, %max3A_79 : vector<1000x128xf32>
    %get3A_81 = arith.constant 0 : index
    %get3A_82 = arith.constant 0 : index
    %get3A_83 = vector.load %arg5[%get3A_81, %get3A_82] : memref<128x128xf32, #tpu.memory_space<vmem>>, vector<128x128xf32>
    %dot_general3A_84 = arith.constant dense<0.000000e+00> : vector<1000x128xf32>
    %dot_general3A_85 = tpu.matmul %max3A_80, %get3A_83, %dot_general3A_84 {dimension_numbers = #tpu.dot_dimension_numbers<[1], [0], [0], [1], [0, 0, 1, 1], [], []>, transpose_lhs_hint = false} : vector<1000x128xf32>, vector<128x128xf32>, vector<1000x128xf32> -> vector<1000x128xf32>
    %get3A_86 = arith.constant 0 : index
    %get3A_87 = arith.constant 0 : index
    %get3A_88 = vector.load %arg6[%get3A_86, %get3A_87] : memref<1x128xf32, #tpu.memory_space<vmem>>, vector<1x128xf32>
    %add3A_89 = vector.broadcast %get3A_88 : vector<1x128xf32> to vector<1000x128xf32>
    %add3A_90 = arith.addf %dot_general3A_85, %add3A_89 : vector<1000x128xf32>
    %max3A_91 = arith.constant 0.000000e+00 : f32
    %max3A_92 = vector.broadcast %max3A_91 : f32 to vector<1000x128xf32>
    %max3A_93 = arith.maximumf %add3A_90, %max3A_92 : vector<1000x128xf32>
    %swap3A_94 = arith.constant 1 : index
    %swap3A_95 = arith.constant 0 : index
    %swap3A_96 = arith.constant 0 : index
    %swap3A_97 = vector.load %arg10[%swap3A_94, %swap3A_95, %swap3A_96] : memref<2x1000x128xf32, #tpu.memory_space<vmem>>, vector<1x1000x128xf32>
    %swap3A_98 = vector.shape_cast %swap3A_97 : vector<1x1000x128xf32> to vector<1000x128xf32>
    %swap3A_99 = vector.shape_cast %max3A_93 : vector<1000x128xf32> to vector<1x1000x128xf32>
    tpu.vector_store %arg10[%swap3A_94, %swap3A_95, %swap3A_96], %swap3A_99 {strides = array<i32>} : memref<2x1000x128xf32, #tpu.memory_space<vmem>>, vector<1x1000x128xf32>,
    %get3A_100 = arith.constant 0 : index
    %get3A_101 = arith.constant 0 : index
    %get3A_102 = vector.load %arg7[%get3A_100, %get3A_101] : memref<128x64xf32, #tpu.memory_space<vmem>>, vector<128x64xf32>
    %dot_general3A_103 = arith.constant dense<0.000000e+00> : vector<1000x64xf32>
    %dot_general3A_104 = tpu.matmul %max3A_93, %get3A_102, %dot_general3A_103 {dimension_numbers = #tpu.dot_dimension_numbers<[1], [0], [0], [1], [0, 0, 1, 1], [], []>, transpose_lhs_hint = false} : vector<1000x128xf32>, vector<128x64xf32>, vector<1000x64xf32> -> vector<1000x64xf32>
    %get3A_105 = arith.constant 0 : index
    %get3A_106 = arith.constant 0 : index
    %get3A_107 = vector.load %arg8[%get3A_105, %get3A_106] : memref<1x64xf32, #tpu.memory_space<vmem>>, vector<1x64xf32>
    %add3A_108 = vector.broadcast %get3A_107 : vector<1x64xf32> to vector<1000x64xf32>
    %add3A_109 = arith.addf %dot_general3A_104, %add3A_108 : vector<1000x64xf32>
    %tanh3A_110 = math.tanh %add3A_109 : vector<1000x64xf32>
    %get3A_111 = arith.constant 1 : index
    %get3A_112 = memref.load %arg11[%get3A_111] : memref<2xf32, #tpu.memory_space<smem>>
    %get3A_113 = arith.constant 0 : index
    %get3A_114 = arith.constant 0 : index
    %get3A_115 = vector.load %arg9[%get3A_113, %get3A_114] : memref<64x1xf32, #tpu.memory_space<vmem>>, vector<64x1xf32>
    %dot_general3A_116 = arith.constant dense<0.000000e+00> : vector<1000x1xf32>
    %dot_general3A_117 = tpu.matmul %tanh3A_110, %get3A_115, %dot_general3A_116 {dimension_numbers = #tpu.dot_dimension_numbers<[1], [0], [0], [1], [0, 0, 1, 1], [], []>, transpose_lhs_hint = false} : vector<1000x64xf32>, vector<64x1xf32>, vector<1000x1xf32> -> vector<1000x1xf32>
    %reduce_sum3A_118 = vector.shape_cast %dot_general3A_117 : vector<1000x1xf32> to vector<1x1000x1xf32>
    %reduce_sum3A_119 = arith.constant dense<0.000000e+00> : vector<1xf32>
    %reduce_sum3A_120 = vector.multi_reduction <add>, %reduce_sum3A_118, %reduce_sum3A_119 [1, 2] : vector<1x1000x1xf32> to vector<1xf32>
    %reduce_sum3A_121 = vector.shape_cast %reduce_sum3A_120 : vector<1xf32> to vector<1x1x1xf32>
    %reduce_sum3A_122 = vector.extract %reduce_sum3A_121[0, 0, 0] : f32 from vector<1x1x1xf32>
    %add3A_123 = arith.addf %get3A_112, %reduce_sum3A_122 : f32
    %swap3A_124 = arith.constant 1 : index
    %swap3A_125 = memref.load %arg11[%swap3A_124] : memref<2xf32, #tpu.memory_space<smem>>
    memref.store %add3A_123, %arg11[%swap3A_124] : memref<2xf32, #tpu.memory_space<smem>>
    return
  }
  func.func @transform_0(%arg0: i32) -> (i32, i32) {
    %c0_i32 = arith.constant 0 : i32
    %c0_i32_0 = arith.constant 0 : i32
    return %arg0, %c0_i32 : i32, i32
  }
  func.func @transform_1(%arg0: i32) -> (i32, i32, i32) {
    %c0_i32 = arith.constant 0 : i32
    %c0_i32_0 = arith.constant 0 : i32
    %c0_i32_1 = arith.constant 0 : i32
    return %c0_i32, %arg0, %c0_i32_0 : i32, i32, i32
  }
  func.func @transform_2(%arg0: i32) -> (i32, i32) {
    %c0_i32 = arith.constant 0 : i32
    %c0_i32_0 = arith.constant 0 : i32
    %c0_i32_1 = arith.constant 0 : i32
    return %c0_i32, %c0_i32_0 : i32, i32
  }
  func.func @transform_3(%arg0: i32) -> (i32, i32) {
    %c0_i32 = arith.constant 0 : i32
    %c0_i32_0 = arith.constant 0 : i32
    %c0_i32_1 = arith.constant 0 : i32
    return %c0_i32, %c0_i32_0 : i32, i32
  }
  func.func @transform_4(%arg0: i32) -> (i32, i32) {
    %c0_i32 = arith.constant 0 : i32
    %c0_i32_0 = arith.constant 0 : i32
    %c0_i32_1 = arith.constant 0 : i32
    return %c0_i32, %c0_i32_0 : i32, i32
  }
  func.func @transform_5(%arg0: i32) -> (i32, i32) {
    %c0_i32 = arith.constant 0 : i32
    %c0_i32_0 = arith.constant 0 : i32
    %c0_i32_1 = arith.constant 0 : i32
    return %c0_i32, %c0_i32_0 : i32, i32
  }
  func.func @transform_6(%arg0: i32) -> (i32, i32) {
    %c0_i32 = arith.constant 0 : i32
    %c0_i32_0 = arith.constant 0 : i32
    %c0_i32_1 = arith.constant 0 : i32
    return %c0_i32, %c0_i32_0 : i32, i32
  }
  func.func @transform_7(%arg0: i32) -> (i32, i32) {
    %c0_i32 = arith.constant 0 : i32
    %c0_i32_0 = arith.constant 0 : i32
    %c0_i32_1 = arith.constant 0 : i32
    return %c0_i32, %c0_i32_0 : i32, i32
  }
  func.func @transform_8(%arg0: i32) -> (i32, i32) {
    %c0_i32 = arith.constant 0 : i32
    %c0_i32_0 = arith.constant 0 : i32
    %c0_i32_1 = arith.constant 0 : i32
    return %c0_i32, %c0_i32_0 : i32, i32
  }
  func.func @transform_9(%arg0: i32) -> (i32, i32, i32) {
    %c0_i32 = arith.constant 0 : i32
    %c0_i32_0 = arith.constant 0 : i32
    %c0_i32_1 = arith.constant 0 : i32
    return %c0_i32, %arg0, %c0_i32_0 : i32, i32, i32
  }
  func.func @transform_10(%arg0: i32) -> i32 {
    %c0_i32 = arith.constant 0 : i32
    %c0_i32_0 = arith.constant 0 : i32
    return %c0_i32 : i32
  }
}

module attributes {stable_mosaic.version = 14 : i64} {
  func.func @body(%arg0: i32, %arg1: memref<2xf32, #tpu.memory_space<smem>>, %arg2: memref<2x1000x128xf32, #tpu.memory_space<vmem>>, %arg3: memref<1000x128xf32, #tpu.memory_space<vmem>>) attributes {dimension_semantics = [#tpu.dimension_semantics<arbitrary>], iteration_bounds = array<i64: 10>, scalar_prefetch = 0 : i64, scratch_operands = 0 : i64, tpu.core_type = #tpu.core_type<tc>, window_params = [{transform_indices = @transform_0, window_bounds = array<i64: 2>}, {transform_indices = @transform_1, window_bounds = array<i64: 2, 1000, 128>}, {transform_indices = @transform_2, window_bounds = array<i64: 1000, 128>}]} {
    %get3A = arith.constant 0 : index
    %get3A_0 = memref.load %arg1[%get3A] : memref<2xf32, #tpu.memory_space<smem>>
    %div3A = arith.constant 1.000000e+04 : f32
    %div3A_1 = arith.divf %get3A_0, %div3A : f32
    %get3A_2 = arith.constant 1 : index
    %get3A_3 = memref.load %arg1[%get3A_2] : memref<2xf32, #tpu.memory_space<smem>>
    %div3A_4 = arith.constant 1.000000e+04 : f32
    %div3A_5 = arith.divf %get3A_3, %div3A_4 : f32
    %max3A = arith.maximumf %div3A_1, %div3A_5 : f32
    %sub3A = arith.subf %div3A_1, %max3A : f32
    %exp3A = math.exp %sub3A : f32
    %sub3A_6 = arith.subf %div3A_5, %max3A : f32
    %exp3A_7 = math.exp %sub3A_6 : f32
    %add3A = arith.addf %exp3A, %exp3A_7 : f32
    %div3A_8 = arith.divf %exp3A, %add3A : f32
    %sub3A_9 = arith.constant 1.000000e+00 : f32
    %sub3A_10 = arith.subf %sub3A_9, %div3A_8 : f32
    %get3A_11 = arith.constant 0 : index
    %get3A_12 = arith.constant 0 : index
    %get3A_13 = arith.constant 0 : index
    %get3A_14 = vector.load %arg2[%get3A_11, %get3A_12, %get3A_13] : memref<2x1000x128xf32, #tpu.memory_space<vmem>>, vector<1x1000x128xf32>
    %get3A_15 = vector.shape_cast %get3A_14 : vector<1x1000x128xf32> to vector<1000x128xf32>
    %mul3A = vector.broadcast %div3A_8 : f32 to vector<1000x128xf32>
    %mul3A_16 = arith.mulf %mul3A, %get3A_15 : vector<1000x128xf32>
    %get3A_17 = arith.constant 1 : index
    %get3A_18 = arith.constant 0 : index
    %get3A_19 = arith.constant 0 : index
    %get3A_20 = vector.load %arg2[%get3A_17, %get3A_18, %get3A_19] : memref<2x1000x128xf32, #tpu.memory_space<vmem>>, vector<1x1000x128xf32>
    %get3A_21 = vector.shape_cast %get3A_20 : vector<1x1000x128xf32> to vector<1000x128xf32>
    %mul3A_22 = vector.broadcast %sub3A_10 : f32 to vector<1000x128xf32>
    %mul3A_23 = arith.mulf %mul3A_22, %get3A_21 : vector<1000x128xf32>
    %add3A_24 = arith.addf %mul3A_16, %mul3A_23 : vector<1000x128xf32>
    %swap3A = arith.constant 0 : index
    %swap3A_25 = arith.constant 0 : index
    %swap3A_26 = vector.load %arg3[%swap3A, %swap3A_25] : memref<1000x128xf32, #tpu.memory_space<vmem>>, vector<1000x128xf32>
    tpu.vector_store %arg3[%swap3A, %swap3A_25], %add3A_24 {strides = array<i32>} : memref<1000x128xf32, #tpu.memory_space<vmem>>, vector<1000x128xf32>,
    return
  }
  func.func @transform_0(%arg0: i32) -> i32 {
    %c0_i32 = arith.constant 0 : i32
    %c0_i32_0 = arith.constant 0 : i32
    return %c0_i32 : i32
  }
  func.func @transform_1(%arg0: i32) -> (i32, i32, i32) {
    %c0_i32 = arith.constant 0 : i32
    %c0_i32_0 = arith.constant 0 : i32
    %c0_i32_1 = arith.constant 0 : i32
    return %c0_i32, %arg0, %c0_i32_0 : i32, i32, i32
  }
  func.func @transform_2(%arg0: i32) -> (i32, i32) {
    %c0_i32 = arith.constant 0 : i32
    %c0_i32_0 = arith.constant 0 : i32
    return %arg0, %c0_i32 : i32, i32
  }
}

module attributes {stable_mosaic.version = 14 : i64} {
  func.func @body(%arg0: i32, %arg1: memref<1000x128xf32, #tpu.memory_space<vmem>>, %arg2: memref<2x1000x128xf32, #tpu.memory_space<vmem>>, %arg3: memref<128x128xf32, #tpu.memory_space<vmem>>, %arg4: memref<1x128xf32, #tpu.memory_space<vmem>>, %arg5: memref<128x128xf32, #tpu.memory_space<vmem>>, %arg6: memref<1x128xf32, #tpu.memory_space<vmem>>, %arg7: memref<128x64xf32, #tpu.memory_space<vmem>>, %arg8: memref<1x64xf32, #tpu.memory_space<vmem>>, %arg9: memref<64x1xf32, #tpu.memory_space<vmem>>, %arg10: memref<1x128xf32, #tpu.memory_space<vmem>>, %arg11: memref<2xf32, #tpu.memory_space<smem>>, %arg12: memref<2x1x128xf32, #tpu.memory_space<vmem>>) attributes {dimension_semantics = [#tpu.dimension_semantics<arbitrary>], iteration_bounds = array<i64: 10>, scalar_prefetch = 0 : i64, scratch_operands = 2 : i64, tpu.core_type = #tpu.core_type<tc>, window_params = [{transform_indices = @transform_0, window_bounds = array<i64: 1000, 128>}, {transform_indices = @transform_1, window_bounds = array<i64: 2, 1000, 128>}, {pipeline_mode = #tpu.pipeline_mode<synchronous>, transform_indices = @transform_2, window_bounds = array<i64: 128, 128>}, {pipeline_mode = #tpu.pipeline_mode<synchronous>, transform_indices = @transform_3, window_bounds = array<i64: 1, 128>}, {pipeline_mode = #tpu.pipeline_mode<synchronous>, transform_indices = @transform_4, window_bounds = array<i64: 128, 128>}, {pipeline_mode = #tpu.pipeline_mode<synchronous>, transform_indices = @transform_5, window_bounds = array<i64: 1, 128>}, {pipeline_mode = #tpu.pipeline_mode<synchronous>, transform_indices = @transform_6, window_bounds = array<i64: 128, 64>}, {pipeline_mode = #tpu.pipeline_mode<synchronous>, transform_indices = @transform_7, window_bounds = array<i64: 1, 64>}, {pipeline_mode = #tpu.pipeline_mode<synchronous>, transform_indices = @transform_8, window_bounds = array<i64: 64, 1>}, {pipeline_mode = #tpu.pipeline_mode<synchronous>, transform_indices = @transform_9, window_bounds = array<i64: 1, 128>}]} {
    %eq3A = arith.constant 0 : i32
    %eq3A_0 = arith.cmpi eq, %arg0, %eq3A : i32
    %convert_element_type3A = arith.extui %eq3A_0 : i1 to i32
    %cond3A = arith.constant 0 : i32
    %cond3A_1 = arith.cmpi ne, %convert_element_type3A, %cond3A : i32
    scf.if %cond3A_1 {
      %swap3A_148 = arith.constant 0.000000e+00 : f32
      %swap3A_149 = arith.constant 0 : index
      %swap3A_150 = memref.load %arg11[%swap3A_149] : memref<2xf32, #tpu.memory_space<smem>>
      memref.store %swap3A_148, %arg11[%swap3A_149] : memref<2xf32, #tpu.memory_space<smem>>
      %swap3A_151 = arith.constant 0.000000e+00 : f32
      %swap3A_152 = arith.constant 1 : index
      %swap3A_153 = memref.load %arg11[%swap3A_152] : memref<2xf32, #tpu.memory_space<smem>>
      memref.store %swap3A_151, %arg11[%swap3A_152] : memref<2xf32, #tpu.memory_space<smem>>
      %broadcast_in_dim3A_154 = arith.constant 0.000000e+00 : f32
      %broadcast_in_dim3A_155 = vector.broadcast %broadcast_in_dim3A_154 : f32 to vector<2x1x128xf32>
      %swap3A_156 = arith.constant 0 : index
      %swap3A_157 = arith.constant 0 : index
      %swap3A_158 = arith.constant 0 : index
      %swap3A_159 = vector.load %arg12[%swap3A_156, %swap3A_157, %swap3A_158] : memref<2x1x128xf32, #tpu.memory_space<vmem>>, vector<2x1x128xf32>
      tpu.vector_store %arg12[%swap3A_156, %swap3A_157, %swap3A_158], %broadcast_in_dim3A_155 {strides = array<i32>} : memref<2x1x128xf32, #tpu.memory_space<vmem>>, vector<2x1x128xf32>,
    } else {
    }
    %get3A = arith.constant 0 : index
    %get3A_2 = arith.constant 0 : index
    %get3A_3 = vector.load %arg1[%get3A, %get3A_2] : memref<1000x128xf32, #tpu.memory_space<vmem>>, vector<1000x128xf32>
    %get3A_4 = arith.constant 0 : index
    %get3A_5 = arith.constant 0 : index
    %get3A_6 = arith.constant 0 : index
    %get3A_7 = vector.load %arg2[%get3A_4, %get3A_5, %get3A_6] : memref<2x1000x128xf32, #tpu.memory_space<vmem>>, vector<1x1000x128xf32>
    %get3A_8 = vector.shape_cast %get3A_7 : vector<1x1000x128xf32> to vector<1000x128xf32>
    %add3A = arith.addf %get3A_3, %get3A_8 : vector<1000x128xf32>
    %get3A_9 = arith.constant 0 : index
    %get3A_10 = arith.constant 0 : index
    %get3A_11 = vector.load %arg3[%get3A_9, %get3A_10] : memref<128x128xf32, #tpu.memory_space<vmem>>, vector<128x128xf32>
    %dot_general3A = arith.constant dense<0.000000e+00> : vector<1000x128xf32>
    %dot_general3A_12 = tpu.matmul %add3A, %get3A_11, %dot_general3A {dimension_numbers = #tpu.dot_dimension_numbers<[1], [0], [0], [1], [0, 0, 1, 1], [], []>, transpose_lhs_hint = false} : vector<1000x128xf32>, vector<128x128xf32>, vector<1000x128xf32> -> vector<1000x128xf32>
    %get3A_13 = arith.constant 0 : index
    %get3A_14 = arith.constant 0 : index
    %get3A_15 = vector.load %arg4[%get3A_13, %get3A_14] : memref<1x128xf32, #tpu.memory_space<vmem>>, vector<1x128xf32>
    %add3A_16 = vector.broadcast %get3A_15 : vector<1x128xf32> to vector<1000x128xf32>
    %add3A_17 = arith.addf %dot_general3A_12, %add3A_16 : vector<1000x128xf32>
    %max3A = arith.constant 0.000000e+00 : f32
    %max3A_18 = vector.broadcast %max3A : f32 to vector<1000x128xf32>
    %max3A_19 = arith.maximumf %add3A_17, %max3A_18 : vector<1000x128xf32>
    %get3A_20 = arith.constant 0 : index
    %get3A_21 = arith.constant 0 : index
    %get3A_22 = vector.load %arg5[%get3A_20, %get3A_21] : memref<128x128xf32, #tpu.memory_space<vmem>>, vector<128x128xf32>
    %dot_general3A_23 = arith.constant dense<0.000000e+00> : vector<1000x128xf32>
    %dot_general3A_24 = tpu.matmul %max3A_19, %get3A_22, %dot_general3A_23 {dimension_numbers = #tpu.dot_dimension_numbers<[1], [0], [0], [1], [0, 0, 1, 1], [], []>, transpose_lhs_hint = false} : vector<1000x128xf32>, vector<128x128xf32>, vector<1000x128xf32> -> vector<1000x128xf32>
    %get3A_25 = arith.constant 0 : index
    %get3A_26 = arith.constant 0 : index
    %get3A_27 = vector.load %arg6[%get3A_25, %get3A_26] : memref<1x128xf32, #tpu.memory_space<vmem>>, vector<1x128xf32>
    %add3A_28 = vector.broadcast %get3A_27 : vector<1x128xf32> to vector<1000x128xf32>
    %add3A_29 = arith.addf %dot_general3A_24, %add3A_28 : vector<1000x128xf32>
    %max3A_30 = arith.constant 0.000000e+00 : f32
    %max3A_31 = vector.broadcast %max3A_30 : f32 to vector<1000x128xf32>
    %max3A_32 = arith.maximumf %add3A_29, %max3A_31 : vector<1000x128xf32>
    %get3A_33 = arith.constant 0 : index
    %get3A_34 = arith.constant 0 : index
    %get3A_35 = arith.constant 0 : index
    %get3A_36 = vector.load %arg12[%get3A_33, %get3A_34, %get3A_35] : memref<2x1x128xf32, #tpu.memory_space<vmem>>, vector<1x1x128xf32>
    %get3A_37 = vector.shape_cast %get3A_36 : vector<1x1x128xf32> to vector<1x128xf32>
    %reduce_sum3A = arith.constant dense<0.000000e+00> : vector<128xf32>
    %reduce_sum3A_38 = vector.multi_reduction <add>, %max3A_32, %reduce_sum3A [0] : vector<1000x128xf32> to vector<128xf32>
    %broadcast_in_dim3A = vector.shape_cast %reduce_sum3A_38 : vector<128xf32> to vector<1x128xf32>
    %add3A_39 = arith.addf %get3A_37, %broadcast_in_dim3A : vector<1x128xf32>
    %swap3A = arith.constant 0 : index
    %swap3A_40 = arith.constant 0 : index
    %swap3A_41 = arith.constant 0 : index
    %swap3A_42 = vector.load %arg12[%swap3A, %swap3A_40, %swap3A_41] : memref<2x1x128xf32, #tpu.memory_space<vmem>>, vector<1x1x128xf32>
    %swap3A_43 = vector.shape_cast %swap3A_42 : vector<1x1x128xf32> to vector<1x128xf32>
    %swap3A_44 = vector.shape_cast %add3A_39 : vector<1x128xf32> to vector<1x1x128xf32>
    tpu.vector_store %arg12[%swap3A, %swap3A_40, %swap3A_41], %swap3A_44 {strides = array<i32>} : memref<2x1x128xf32, #tpu.memory_space<vmem>>, vector<1x1x128xf32>,
    %get3A_45 = arith.constant 0 : index
    %get3A_46 = arith.constant 0 : index
    %get3A_47 = vector.load %arg7[%get3A_45, %get3A_46] : memref<128x64xf32, #tpu.memory_space<vmem>>, vector<128x64xf32>
    %dot_general3A_48 = arith.constant dense<0.000000e+00> : vector<1000x64xf32>
    %dot_general3A_49 = tpu.matmul %max3A_32, %get3A_47, %dot_general3A_48 {dimension_numbers = #tpu.dot_dimension_numbers<[1], [0], [0], [1], [0, 0, 1, 1], [], []>, transpose_lhs_hint = false} : vector<1000x128xf32>, vector<128x64xf32>, vector<1000x64xf32> -> vector<1000x64xf32>
    %get3A_50 = arith.constant 0 : index
    %get3A_51 = arith.constant 0 : index
    %get3A_52 = vector.load %arg8[%get3A_50, %get3A_51] : memref<1x64xf32, #tpu.memory_space<vmem>>, vector<1x64xf32>
    %add3A_53 = vector.broadcast %get3A_52 : vector<1x64xf32> to vector<1000x64xf32>
    %add3A_54 = arith.addf %dot_general3A_49, %add3A_53 : vector<1000x64xf32>
    %tanh3A = math.tanh %add3A_54 : vector<1000x64xf32>
    %get3A_55 = arith.constant 0 : index
    %get3A_56 = memref.load %arg11[%get3A_55] : memref<2xf32, #tpu.memory_space<smem>>
    %get3A_57 = arith.constant 0 : index
    %get3A_58 = arith.constant 0 : index
    %get3A_59 = vector.load %arg9[%get3A_57, %get3A_58] : memref<64x1xf32, #tpu.memory_space<vmem>>, vector<64x1xf32>
    %dot_general3A_60 = arith.constant dense<0.000000e+00> : vector<1000x1xf32>
    %dot_general3A_61 = tpu.matmul %tanh3A, %get3A_59, %dot_general3A_60 {dimension_numbers = #tpu.dot_dimension_numbers<[1], [0], [0], [1], [0, 0, 1, 1], [], []>, transpose_lhs_hint = false} : vector<1000x64xf32>, vector<64x1xf32>, vector<1000x1xf32> -> vector<1000x1xf32>
    %reduce_sum3A_62 = vector.shape_cast %dot_general3A_61 : vector<1000x1xf32> to vector<1x1000x1xf32>
    %reduce_sum3A_63 = arith.constant dense<0.000000e+00> : vector<1xf32>
    %reduce_sum3A_64 = vector.multi_reduction <add>, %reduce_sum3A_62, %reduce_sum3A_63 [1, 2] : vector<1x1000x1xf32> to vector<1xf32>
    %reduce_sum3A_65 = vector.shape_cast %reduce_sum3A_64 : vector<1xf32> to vector<1x1x1xf32>
    %reduce_sum3A_66 = vector.extract %reduce_sum3A_65[0, 0, 0] : f32 from vector<1x1x1xf32>
    %add3A_67 = arith.addf %get3A_56, %reduce_sum3A_66 : f32
    %swap3A_68 = arith.constant 0 : index
    %swap3A_69 = memref.load %arg11[%swap3A_68] : memref<2xf32, #tpu.memory_space<smem>>
    memref.store %add3A_67, %arg11[%swap3A_68] : memref<2xf32, #tpu.memory_space<smem>>
    %get3A_70 = arith.constant 1 : index
    %get3A_71 = arith.constant 0 : index
    %get3A_72 = arith.constant 0 : index
    %get3A_73 = vector.load %arg2[%get3A_70, %get3A_71, %get3A_72] : memref<2x1000x128xf32, #tpu.memory_space<vmem>>, vector<1x1000x128xf32>
    %get3A_74 = vector.shape_cast %get3A_73 : vector<1x1000x128xf32> to vector<1000x128xf32>
    %add3A_75 = arith.addf %get3A_3, %get3A_74 : vector<1000x128xf32>
    %get3A_76 = arith.constant 0 : index
    %get3A_77 = arith.constant 0 : index
    %get3A_78 = vector.load %arg3[%get3A_76, %get3A_77] : memref<128x128xf32, #tpu.memory_space<vmem>>, vector<128x128xf32>
    %dot_general3A_79 = arith.constant dense<0.000000e+00> : vector<1000x128xf32>
    %dot_general3A_80 = tpu.matmul %add3A_75, %get3A_78, %dot_general3A_79 {dimension_numbers = #tpu.dot_dimension_numbers<[1], [0], [0], [1], [0, 0, 1, 1], [], []>, transpose_lhs_hint = false} : vector<1000x128xf32>, vector<128x128xf32>, vector<1000x128xf32> -> vector<1000x128xf32>
    %get3A_81 = arith.constant 0 : index
    %get3A_82 = arith.constant 0 : index
    %get3A_83 = vector.load %arg4[%get3A_81, %get3A_82] : memref<1x128xf32, #tpu.memory_space<vmem>>, vector<1x128xf32>
    %add3A_84 = vector.broadcast %get3A_83 : vector<1x128xf32> to vector<1000x128xf32>
    %add3A_85 = arith.addf %dot_general3A_80, %add3A_84 : vector<1000x128xf32>
    %max3A_86 = arith.constant 0.000000e+00 : f32
    %max3A_87 = vector.broadcast %max3A_86 : f32 to vector<1000x128xf32>
    %max3A_88 = arith.maximumf %add3A_85, %max3A_87 : vector<1000x128xf32>
    %get3A_89 = arith.constant 0 : index
    %get3A_90 = arith.constant 0 : index
    %get3A_91 = vector.load %arg5[%get3A_89, %get3A_90] : memref<128x128xf32, #tpu.memory_space<vmem>>, vector<128x128xf32>
    %dot_general3A_92 = arith.constant dense<0.000000e+00> : vector<1000x128xf32>
    %dot_general3A_93 = tpu.matmul %max3A_88, %get3A_91, %dot_general3A_92 {dimension_numbers = #tpu.dot_dimension_numbers<[1], [0], [0], [1], [0, 0, 1, 1], [], []>, transpose_lhs_hint = false} : vector<1000x128xf32>, vector<128x128xf32>, vector<1000x128xf32> -> vector<1000x128xf32>
    %get3A_94 = arith.constant 0 : index
    %get3A_95 = arith.constant 0 : index
    %get3A_96 = vector.load %arg6[%get3A_94, %get3A_95] : memref<1x128xf32, #tpu.memory_space<vmem>>, vector<1x128xf32>
    %add3A_97 = vector.broadcast %get3A_96 : vector<1x128xf32> to vector<1000x128xf32>
    %add3A_98 = arith.addf %dot_general3A_93, %add3A_97 : vector<1000x128xf32>
    %max3A_99 = arith.constant 0.000000e+00 : f32
    %max3A_100 = vector.broadcast %max3A_99 : f32 to vector<1000x128xf32>
    %max3A_101 = arith.maximumf %add3A_98, %max3A_100 : vector<1000x128xf32>
    %get3A_102 = arith.constant 1 : index
    %get3A_103 = arith.constant 0 : index
    %get3A_104 = arith.constant 0 : index
    %get3A_105 = vector.load %arg12[%get3A_102, %get3A_103, %get3A_104] : memref<2x1x128xf32, #tpu.memory_space<vmem>>, vector<1x1x128xf32>
    %get3A_106 = vector.shape_cast %get3A_105 : vector<1x1x128xf32> to vector<1x128xf32>
    %reduce_sum3A_107 = arith.constant dense<0.000000e+00> : vector<128xf32>
    %reduce_sum3A_108 = vector.multi_reduction <add>, %max3A_101, %reduce_sum3A_107 [0] : vector<1000x128xf32> to vector<128xf32>
    %broadcast_in_dim3A_109 = vector.shape_cast %reduce_sum3A_108 : vector<128xf32> to vector<1x128xf32>
    %add3A_110 = arith.addf %get3A_106, %broadcast_in_dim3A_109 : vector<1x128xf32>
    %swap3A_111 = arith.constant 1 : index
    %swap3A_112 = arith.constant 0 : index
    %swap3A_113 = arith.constant 0 : index
    %swap3A_114 = vector.load %arg12[%swap3A_111, %swap3A_112, %swap3A_113] : memref<2x1x128xf32, #tpu.memory_space<vmem>>, vector<1x1x128xf32>
    %swap3A_115 = vector.shape_cast %swap3A_114 : vector<1x1x128xf32> to vector<1x128xf32>
    %swap3A_116 = vector.shape_cast %add3A_110 : vector<1x128xf32> to vector<1x1x128xf32>
    tpu.vector_store %arg12[%swap3A_111, %swap3A_112, %swap3A_113], %swap3A_116 {strides = array<i32>} : memref<2x1x128xf32, #tpu.memory_space<vmem>>, vector<1x1x128xf32>,
    %get3A_117 = arith.constant 0 : index
    %get3A_118 = arith.constant 0 : index
    %get3A_119 = vector.load %arg7[%get3A_117, %get3A_118] : memref<128x64xf32, #tpu.memory_space<vmem>>, vector<128x64xf32>
    %dot_general3A_120 = arith.constant dense<0.000000e+00> : vector<1000x64xf32>
    %dot_general3A_121 = tpu.matmul %max3A_101, %get3A_119, %dot_general3A_120 {dimension_numbers = #tpu.dot_dimension_numbers<[1], [0], [0], [1], [0, 0, 1, 1], [], []>, transpose_lhs_hint = false} : vector<1000x128xf32>, vector<128x64xf32>, vector<1000x64xf32> -> vector<1000x64xf32>
    %get3A_122 = arith.constant 0 : index
    %get3A_123 = arith.constant 0 : index
    %get3A_124 = vector.load %arg8[%get3A_122, %get3A_123] : memref<1x64xf32, #tpu.memory_space<vmem>>, vector<1x64xf32>
    %add3A_125 = vector.broadcast %get3A_124 : vector<1x64xf32> to vector<1000x64xf32>
    %add3A_126 = arith.addf %dot_general3A_121, %add3A_125 : vector<1000x64xf32>
    %tanh3A_127 = math.tanh %add3A_126 : vector<1000x64xf32>
    %get3A_128 = arith.constant 1 : index
    %get3A_129 = memref.load %arg11[%get3A_128] : memref<2xf32, #tpu.memory_space<smem>>
    %get3A_130 = arith.constant 0 : index
    %get3A_131 = arith.constant 0 : index
    %get3A_132 = vector.load %arg9[%get3A_130, %get3A_131] : memref<64x1xf32, #tpu.memory_space<vmem>>, vector<64x1xf32>
    %dot_general3A_133 = arith.constant dense<0.000000e+00> : vector<1000x1xf32>
    %dot_general3A_134 = tpu.matmul %tanh3A_127, %get3A_132, %dot_general3A_133 {dimension_numbers = #tpu.dot_dimension_numbers<[1], [0], [0], [1], [0, 0, 1, 1], [], []>, transpose_lhs_hint = false} : vector<1000x64xf32>, vector<64x1xf32>, vector<1000x1xf32> -> vector<1000x1xf32>
    %reduce_sum3A_135 = vector.shape_cast %dot_general3A_134 : vector<1000x1xf32> to vector<1x1000x1xf32>
    %reduce_sum3A_136 = arith.constant dense<0.000000e+00> : vector<1xf32>
    %reduce_sum3A_137 = vector.multi_reduction <add>, %reduce_sum3A_135, %reduce_sum3A_136 [1, 2] : vector<1x1000x1xf32> to vector<1xf32>
    %reduce_sum3A_138 = vector.shape_cast %reduce_sum3A_137 : vector<1xf32> to vector<1x1x1xf32>
    %reduce_sum3A_139 = vector.extract %reduce_sum3A_138[0, 0, 0] : f32 from vector<1x1x1xf32>
    %add3A_140 = arith.addf %get3A_129, %reduce_sum3A_139 : f32
    %swap3A_141 = arith.constant 1 : index
    %swap3A_142 = memref.load %arg11[%swap3A_141] : memref<2xf32, #tpu.memory_space<smem>>
    memref.store %add3A_140, %arg11[%swap3A_141] : memref<2xf32, #tpu.memory_space<smem>>
    %eq3A_143 = arith.constant 9 : i32
    %eq3A_144 = arith.cmpi eq, %arg0, %eq3A_143 : i32
    %convert_element_type3A_145 = arith.extui %eq3A_144 : i1 to i32
    %cond3A_146 = arith.constant 0 : i32
    %cond3A_147 = arith.cmpi ne, %convert_element_type3A_145, %cond3A_146 : i32
    scf.if %cond3A_147 {
      %get3A_148 = arith.constant 0 : index
      %get3A_149 = memref.load %arg11[%get3A_148] : memref<2xf32, #tpu.memory_space<smem>>
      %div3A = arith.constant 1.000000e+04 : f32
      %div3A_150 = arith.divf %get3A_149, %div3A : f32
      %get3A_151 = arith.constant 1 : index
      %get3A_152 = memref.load %arg11[%get3A_151] : memref<2xf32, #tpu.memory_space<smem>>
      %div3A_153 = arith.constant 1.000000e+04 : f32
      %div3A_154 = arith.divf %get3A_152, %div3A_153 : f32
      %max3A_155 = arith.maximumf %div3A_150, %div3A_154 : f32
      %sub3A = arith.subf %div3A_150, %max3A_155 : f32
      %exp3A = math.exp %sub3A : f32
      %sub3A_156 = arith.subf %div3A_154, %max3A_155 : f32
      %exp3A_157 = math.exp %sub3A_156 : f32
      %add3A_158 = arith.addf %exp3A, %exp3A_157 : f32
      %div3A_159 = arith.divf %exp3A, %add3A_158 : f32
      %sub3A_160 = arith.constant 1.000000e+00 : f32
      %sub3A_161 = arith.subf %sub3A_160, %div3A_159 : f32
      %get3A_162 = arith.constant 0 : index
      %get3A_163 = arith.constant 0 : index
      %get3A_164 = arith.constant 0 : index
      %get3A_165 = vector.load %arg12[%get3A_162, %get3A_163, %get3A_164] : memref<2x1x128xf32, #tpu.memory_space<vmem>>, vector<1x1x128xf32>
      %get3A_166 = vector.shape_cast %get3A_165 : vector<1x1x128xf32> to vector<1x128xf32>
      %mul3A = vector.broadcast %div3A_159 : f32 to vector<1x128xf32>
      %mul3A_167 = arith.mulf %mul3A, %get3A_166 : vector<1x128xf32>
      %get3A_168 = arith.constant 1 : index
      %get3A_169 = arith.constant 0 : index
      %get3A_170 = arith.constant 0 : index
      %get3A_171 = vector.load %arg12[%get3A_168, %get3A_169, %get3A_170] : memref<2x1x128xf32, #tpu.memory_space<vmem>>, vector<1x1x128xf32>
      %get3A_172 = vector.shape_cast %get3A_171 : vector<1x1x128xf32> to vector<1x128xf32>
      %mul3A_173 = vector.broadcast %sub3A_161 : f32 to vector<1x128xf32>
      %mul3A_174 = arith.mulf %mul3A_173, %get3A_172 : vector<1x128xf32>
      %add3A_175 = arith.addf %mul3A_167, %mul3A_174 : vector<1x128xf32>
      %swap3A_176 = arith.constant 0 : index
      %swap3A_177 = arith.constant 0 : index
      %swap3A_178 = vector.load %arg10[%swap3A_176, %swap3A_177] : memref<1x128xf32, #tpu.memory_space<vmem>>, vector<1x128xf32>
      tpu.vector_store %arg10[%swap3A_176, %swap3A_177], %add3A_175 {strides = array<i32>} : memref<1x128xf32, #tpu.memory_space<vmem>>, vector<1x128xf32>,
    } else {
    }
    return
  }
  func.func @transform_0(%arg0: i32) -> (i32, i32) {
    %c0_i32 = arith.constant 0 : i32
    %c0_i32_0 = arith.constant 0 : i32
    return %arg0, %c0_i32 : i32, i32
  }
  func.func @transform_1(%arg0: i32) -> (i32, i32, i32) {
    %c0_i32 = arith.constant 0 : i32
    %c0_i32_0 = arith.constant 0 : i32
    %c0_i32_1 = arith.constant 0 : i32
    return %c0_i32, %arg0, %c0_i32_0 : i32, i32, i32
  }
  func.func @transform_2(%arg0: i32) -> (i32, i32) {
    %c0_i32 = arith.constant 0 : i32
    %c0_i32_0 = arith.constant 0 : i32
    %c0_i32_1 = arith.constant 0 : i32
    return %c0_i32, %c0_i32_0 : i32, i32
  }
  func.func @transform_3(%arg0: i32) -> (i32, i32) {
    %c0_i32 = arith.constant 0 : i32
    %c0_i32_0 = arith.constant 0 : i32
    %c0_i32_1 = arith.constant 0 : i32
    return %c0_i32, %c0_i32_0 : i32, i32
  }
  func.func @transform_4(%arg0: i32) -> (i32, i32) {
    %c0_i32 = arith.constant 0 : i32
    %c0_i32_0 = arith.constant 0 : i32
    %c0_i32_1 = arith.constant 0 : i32
    return %c0_i32, %c0_i32_0 : i32, i32
  }
  func.func @transform_5(%arg0: i32) -> (i32, i32) {
    %c0_i32 = arith.constant 0 : i32
    %c0_i32_0 = arith.constant 0 : i32
    %c0_i32_1 = arith.constant 0 : i32
    return %c0_i32, %c0_i32_0 : i32, i32
  }
  func.func @transform_6(%arg0: i32) -> (i32, i32) {
    %c0_i32 = arith.constant 0 : i32
    %c0_i32_0 = arith.constant 0 : i32
    %c0_i32_1 = arith.constant 0 : i32
    return %c0_i32, %c0_i32_0 : i32, i32
  }
  func.func @transform_7(%arg0: i32) -> (i32, i32) {
    %c0_i32 = arith.constant 0 : i32
    %c0_i32_0 = arith.constant 0 : i32
    %c0_i32_1 = arith.constant 0 : i32
    return %c0_i32, %c0_i32_0 : i32, i32
  }
  func.func @transform_8(%arg0: i32) -> (i32, i32) {
    %c0_i32 = arith.constant 0 : i32
    %c0_i32_0 = arith.constant 0 : i32
    %c0_i32_1 = arith.constant 0 : i32
    return %c0_i32, %c0_i32_0 : i32, i32
  }
  func.func @transform_9(%arg0: i32) -> (i32, i32) {
    %c0_i32 = arith.constant 0 : i32
    %c0_i32_0 = arith.constant 0 : i32
    %c0_i32_1 = arith.constant 0 : i32
    return %c0_i32, %c0_i32_0 : i32, i32
  }
}

</mosaic_0001>

<sc_bundles>
// kernel: kernel.10.cloned.1.call-start
scs
__scs_entry_jumppad:
0x0: {  	(pc) =	sbr.rel $0x88, $3  }
0x1: {  	(tag) =	ssettag $0x0;
	lr =	simm.s32 $0x1  }
0x2: {  	[smem:$0x3F91] =	sst lr;
	_ =	strace $0xD0000000  }
0x3: {  	_ = 	snop  }
0x4: {  	_ = 	snop  }
0x5: {  	_ = 	snop  }
0x6: {  	_ = 	snop  }
0x7: {  	_ = 	snop  }
__scs_overlays_trampoline_lowered:
0x8: {  	[smem:$0x3FA0] =	sst s0  }
0x9: {  	[smem:$0x3FA1] =	sst s1  }
0xa: {  	[smem:$0x3FA2] =	sst s2  }
0xb: {  	[smem:$0x3FA3] =	sst s3  }
0xc: {  	[smem:$0x3FA4] =	sst s4  }
0xd: {  	[smem:$0x3FA5] =	sst s5  }
0xe: {  	[smem:$0x3FA6] =	sst s6  }
0xf: {  	[smem:$0x3FA7] =	sst s7  }
0x10: {  	[smem:$0x3FA8] =	sst s8  }
0x11: {  	[smem:$0x3FA9] =	sst s9;
	s0 =	simm.s32 @!p0 $0x0  }
0x12: {  	s1 =	sld [smem:$0x3F8F];
	s0 =	simm.s32 @p0 $0x1  }
0x13: {  	[smem:$0x3FAA] =	sst s0;
	s0 =	simm.s32 @!p1 $0x0  }
0x14: {  	s2 =	sld [smem:$0x3F8E];
	s0 =	simm.s32 @p1 $0x1  }
0x15: {  	[smem:$0x3FAB] =	sst s0;
	s0 =	simm.s32 @!p2 $0x0  }
0x16: {  	s3 =	sld [smem:$0x3FDB];
	s0 =	simm.s32 @p2 $0x1  }
0x17: {  	s4 =	simm.s32 $0x1BF5;
	[smem:$0x3FAD] =	sst s0  }
0x18: {  	s0 =	sld [smem:$0x3F90];
	_ =	swait.ge [sflag:s4], $0x0  }
0x19: {  	s7 =	sld [smem:$0x3F91]  }
0x1a: {  	s8 =	sadd.s32 $0xFFFFE003, lr  }
0x1b: {  	s9 =	sadd.s32 $0xFFFFFEF7, lr;
	s5 =	simm.s32 $0xFFFFFFFF;
	p2 =	slt.u32 s8, $0xFFFFF086  }
0x1c: {  	p1 =	slt.u32 s9, $0xF7A;
	s5 =	simm.s32 @!p2 $0x0  }
0x1d: {  	s5 =	simm.s32 @p1 $0x1;
	p0 =	seq.s32 s7, s2  }
0x1e: {  	s7 =	smul.u32 @!p0 $0xF7A, s2;
	p2 =	seq.s32 @!p0 s5, $0x0  }
0x1f: {  	s9 =	smul.u32 $0xF7A, s1;
	s8 =	simm.s32 @!p0 $0x1BF5;
	p2 =	por !p2, p0  }
0x20: {  	[sflag:s8] =	ssyncset.s32 @!p0 $0xFFFFF086;
	s6 =	sadd.s32 @!p0 s3, s7;
	s7 =	simm.s32 @!p0 $0x108  }
0x21: {  	s3 =	sadd.s32 s3, s9;
	s6 =	sadd.s32 @!p0 $0x88, s6;
	s7 =	simm.s32 @p2 $0x1082  }
0x22: {  	[simem:s7], [sflag:s8] =	dma.local @!p0 [hbm:s6], $0xF7A  }
0x23: {  	s9 =	sor.u32 $0xD0000000, s2;
	s6 =	simm.s32 $0x108;
	_ =	swait.ge @!p0 [sflag:s8], $0x0  }
0x24: {  	s3 =	sadd.s32 $0x88, s3;
	s6 =	simm.s32 @!p1 $0x1082;
	[sflag:s4] =	ssyncset.s32 $0xFFFFF086  }
0x25: {  	[simem:s6], [sflag:s4] =	dma.local [hbm:s3], $0xF7A  }
0x26: {  	[smem:$0x3F91] =	sst s1;
	(tag) =	ssettag s2;
	_ =	strace s9  }
0x27: {  	s1 =	sld [smem:$0x3FA1]  }
0x28: {  	s2 =	sld [smem:$0x3FA2]  }
0x29: {  	s4 =	sld [smem:$0x3FA4]  }
0x2a: {  	p0 =	seq.s32 s5, $0x0;
	s5 =	sld [smem:$0x3FA5]  }
0x2b: {  	s6 =	sld [smem:$0x3FA6]  }
0x2c: {  	s7 =	sld [smem:$0x3FA7]  }
0x2d: {  	s3 =	simm.s32 $0x108;
	s8 =	sld [smem:$0x3FA8]  }
0x2e: {  	s3 =	simm.s32 @!p0 $0x1082;
	s9 =	sld [smem:$0x3FA9]  }
0x2f: {  	lr =	sadd.s32 s0, s3;
	s0 =	sld [smem:$0x3FA0]  }
0x30: {  	s3 =	sld [smem:$0x3FA3]  }
0x31: {  	[smem:$0x3FAC] =	sst s10  }
0x32: {  	s10 =	sld [smem:$0x3FAA];
	_ =	sdelay $0x3  }
0x33: {  	p0 =	seq.s32 s10, $0x1;
	s10 =	sld [smem:$0x3FAC];
	_ =	sdelay $0x3  }
0x34: {  	[smem:$0x3FAC] =	sst s10  }
0x35: {  	s10 =	sld [smem:$0x3FAB];
	_ =	sdelay $0x3  }
0x36: {  	p1 =	seq.s32 s10, $0x1;
	s10 =	sld [smem:$0x3FAC];
	_ =	sdelay $0x3  }
0x37: {  	[smem:$0x3FAC] =	sst s10  }
0x38: {  	s10 =	sld [smem:$0x3FAD]  }
0x39: {  	_ = 	snop;
	(pc) =	sbr.ind lr, $3  }
0x3a: {  	_ = 	snop  }
0x3b: {  	_ = 	snop  }
0x3c: {  	p2 =	seq.s32 s10, $0x1;
	s10 =	sld [smem:$0x3FAC]  }
0x3d: {  	_ =	shalt  }
0x3e: {  	_ =	shalt  }
0x3f: {  	_ =	shalt  }
0x40: {  	_ =	shalt  }
0x41: {  	_ =	shalt  }
0x42: {  	_ =	shalt  }
0x43: {  	_ =	shalt  }
0x44: {  	_ =	shalt  }
0x45: {  	_ =	shalt  }
0x46: {  	_ =	shalt  }
0x47: {  	_ =	shalt  }
0x48: {  	_ =	shalt  }
0x49: {  	_ =	shalt  }
0x4a: {  	_ =	shalt  }
0x4b: {  	_ =	shalt  }
0x4c: {  	_ =	shalt  }
0x4d: {  	_ =	shalt  }
0x4e: {  	_ =	shalt  }
0x4f: {  	_ =	shalt  }
0x50: {  	_ =	shalt  }
0x51: {  	_ =	shalt  }
0x52: {  	_ =	shalt  }
0x53: {  	_ =	shalt  }
0x54: {  	_ =	shalt  }
0x55: {  	_ =	shalt  }
0x56: {  	_ =	shalt  }
0x57: {  	_ =	shalt  }
0x58: {  	_ =	shalt  }
0x59: {  	_ =	shalt  }
0x5a: {  	_ =	shalt  }
0x5b: {  	_ =	shalt  }
0x5c: {  	_ =	shalt  }
0x5d: {  	_ =	shalt  }
0x5e: {  	_ =	shalt  }
0x5f: {  	_ =	shalt  }
0x60: {  	_ =	shalt  }
0x61: {  	_ =	shalt  }
0x62: {  	_ =	shalt  }
0x63: {  	_ =	shalt  }
0x64: {  	_ =	shalt  }
0x65: {  	_ =	shalt  }
0x66: {  	_ =	shalt  }
0x67: {  	_ =	shalt  }
0x68: {  	_ =	shalt  }
0x69: {  	_ =	shalt  }
0x6a: {  	_ =	shalt  }
0x6b: {  	_ =	shalt  }
0x6c: {  	_ =	shalt  }
0x6d: {  	_ =	shalt  }
0x6e: {  	_ =	shalt  }
0x6f: {  	_ =	shalt  }
0x70: {  	_ =	shalt  }
0x71: {  	_ =	shalt  }
0x72: {  	_ =	shalt  }
0x73: {  	_ =	shalt  }
0x74: {  	_ =	shalt  }
0x75: {  	_ =	shalt  }
0x76: {  	_ =	shalt  }
0x77: {  	_ =	shalt  }
0x78: {  	_ =	shalt  }
0x79: {  	_ =	shalt  }
0x7a: {  	_ =	shalt  }
0x7b: {  	_ =	shalt  }
0x7c: {  	_ =	shalt  }
0x7d: {  	_ =	shalt  }
0x7e: {  	_ =	shalt  }
0x7f: {  	_ =	shalt  }
0x80: {  	_ =	shalt  }
0x81: {  	_ =	shalt  }
0x82: {  	_ =	shalt  }
0x83: {  	_ =	shalt  }
0x84: {  	_ =	shalt  }
0x85: {  	_ =	shalt  }
0x86: {  	_ =	shalt  }
0x87: {  	_ =	shalt  }
.Lfunc_end0:
.L_simem_size_0:
called_computation.1_lowered:
.L_overlay_start_0:
0x88: {  	s2 =	sld [smem:$0x3FD9]  }
0x89: {  	s3 =	sld [smem:$0x3FFE];
	_ =	sdelay $0x1  }
0x8a: {  	s1 =	srdreg.scid  }
0x8b: {  	s0 =	sand.u32 $0x1, s1  }
0x8c: {  	s16 =	sshll.u32 s0, $0xA;
	s2 =	sadd.s32 s3, s2  }
0x8d: {  	s2 =	sadd.s32 s2, s16  }
0x8e: {  	[smem:$0x3FB8] =	sst s2  }
0x8f: {  	_ = 	snop  }
0x90: {  	(tm) =	ssettm $0x1  }
0x91: {  	s17 =	sld [smem:$0x3FFB];
	_ =	sdelay $0x3  }
0x92: {  	_ =	strace s17  }
0x93: {  	s2 =	sld [smem:$0x3FFC];
	_ =	sdelay $0x3  }
0x94: {  	_ =	strace s2  }
0x95: {  	s2 =	sld [smem:$0x3FFD];
	_ =	sdelay $0x3  }
0x96: {  	_ =	strace s2  }
0x97: {  	_ =	strace $0x8FFFFFFF  }
0x98: {  	s18 =	sld [smem:$0x3FDB];
	_ =	sdelay $0x1  }
0x99: {  	s19 =	simm.s32 $_scs_section_size  }
0x9a: {  	s4 =	simm.s32 $_size__tile_overlayer_lowered;
	s5 =	simm.s32 $_tile_overlayer_lowered  }
0x9b: {  	s22 =	simm.s32 $0x1BFF;
	s21 =	sshll.u32 s5, $0x1;
	s2 =	sadd.s32 s19, s18  }
0x9c: {  	s6 =	simm.s32 $0x0;
	s20 =	sshll.u32 s4, $0x1;
	s4 =	sadd.s32 s21, s2  }
0x9d: {  	[timem:s6], [sflag:s22] =	dma.local [hbm:s4], s20  }
0x9e: {  	_ =	swait.ge [sflag:s22], s20  }
0x9f: {  	s3 =	ssub.s32 $0x0, s20;
	[sflag:s22] =	ssyncset.done $0x0  }
0xa0: {  	[sflag:s22] =	ssyncadd.s32 s3;
	_ =	sdelay $0x1  }
0xa1: {  	s23 =	simm.s32 $0x1B8B  }
0xa2: {  	_ =	swait.ge [sflag:s23], $0x1  }
0xa3: {  	[sflag:s23] =	ssyncset.done $0x0  }
0xa4: {  	s25 =	simm.s32 $0x1B8E;
	s24 =	sld [smem:$0x3FFE];
	[sflag:s23] =	ssyncadd.s32 $0xFFFFFFFF  }
0xa5: {  	s26 =	simm.s32 $execute0_lowered;
	[smem:$0x3FD2] =	sst s25  }
0xa6: {  	s4 =	sshll.u32 s26, $0x1;
	_ =	strace $0x80000049;
	[dreg:$0x1] =	wrdreg $0xFFFFFFFF  }
0xa7: {  	s28 =	simm.s32 $_size_execute0_lowered;
	s2 =	sadd.s32 s2, s4;
	[dreg:$0x0] =	wrdreg $0x0  }
0xa8: {  	s4 =	sshll.u32 s28, $0x1;
	[dreg:$0x2] =	wrdreg s2  }
0xa9: {  	[dreg:$0x3] =	wrdreg s4  }
0xaa: {  	[dreg:$0x4] =	wrdreg $0xC0  }
0xab: {  	_ =	task [dreg:s6], $0x5FFFF  }
0xac: {  	[dreg:$0x1] =	wrdreg $0xFFFFFFFF  }
0xad: {  	[dreg:$0x0] =	wrdreg $0x60  }
0xae: {  	[dreg:$0x2] =	wrdreg s24  }
0xaf: {  	[dreg:$0x3] =	wrdreg $0xA8000  }
0xb0: {  	[dreg:$0x4] =	wrdreg $0x9  }
0xb1: {  	_ =	task.clear_ibuf [dreg:s6], $0x5FFFF;
	_ =	strace $0x90000049  }
0xb2: {  	s29 =	simm.s32 $0x9;
	_ =	strace $0x8000004B  }
0xb3: {  	_ =	swait.ge [sflag:s29], $0x1  }
0xb4: {  	[sflag:s29] =	ssyncadd.s32 $0xFFFFFFFF  }
0xb5: {  	_ =	strace $0x9000004B  }
0xb6: {  	_ =	sfence  }
0xb7: {  	s30 =	sld [smem:$0x0];
	_ =	sdelay $0x2  }
0xb8: {  	s31 =	sshll.u32 s1, $0xD;
	s1 =	sshrl.u32 s1, $0x2  }
0xb9: {  	s3 =	sand.u32 $0x4000, s31;
	s1 =	sadd.s32 s1, s30  }
0xba: {  	s0 =	sor.u32 s3, s0;
	s1 =	sshll.u32 s1, $0x11  }
0xbb: {  	s0 =	sor.u32 s1, s0  }
0xbc: {  	s0 =	sadd.s32 $0x8F2B, s0  }
0xbd: {  	[sflag:s0] =	ssyncadd.remote.s32 $0x1  }
0xbe: {  	_ =	sfence.sel $0xFFFF  }
0xbf: {  	[dreg:$0x0] =	wrdreg $0xFFFFFFFF;
	(pc) =	sbr.abs _section_cstart, $3  }
0xc0: {  	[dreg:$0x1] =	wrdreg $0xFFFFFFFF  }
0xc1: {  	_ =	task.clear_ibuf [dreg:s6], $0x2FFFF;
	_ =	strace $0x9FFFFFFF  }
0xc2: {  	(tm) =	ssettm $0x7FFFFFFF  }
0xc3: {  	_ =	shalt  }
tec
execute0_lowered:
.L_overlay_start_1:
0x0: {  	(tag) =	ssettag $0x1  }
0x1: {  	s5 =	rddreg [dreg:$0x0]  }
0x2: {  	s0 =	srdreg.scid;
	s2 =	rddreg [dreg:$0x1]  }
0x3: {  	s1 =	rddreg [dreg:$0x2];
	s3 =	simm.s32 $0x0;
	s13 =	simm.s32 $0x1400  }
0x4: {  	s14 =	simm.s32 $0x80;
	s15 =	simm.s32 $0x2800;
	s16 =	simm.s32 $0x6800  }
0x5: {  	s19 =	simm.s32 $0x1;
	s20 =	simm.s32 $0x2;
	s6 =	sand.u32 $0x1, s0  }
0x6: {  	s21 =	simm.s32 $0x2700;
	s0 =	stileid.u32;
	s4 =	smul.u32 $0x50000, s6  }
0x7: {  	s22 =	simm.s32 $0x2780;
	[smem:$0x7FF] =	sst s3;
	s7 =	smul.u32 $0x2800, s0  }
0x8: {  	s23 =	simm.s32 $0x0;
	s28 =	smul.u32 $0x14000, s0;
	_ =	strace $0x8000004A  }
0x9: {  	s9 =	smul.u32 $0x140000, s6;
	s6 =	ssub.s32 $0x2, s6;
	s17 =	sshll.u32 s0, $0x6  }
0xa: {  	s30 =	smul.u32 $0x50000, s0;
	s11 =	sshrl.u32 s6, $0x1;
	s17 =	sor.u32 $0x1C03, s17  }
0xb: {  	s4 =	sadd.s32 s7, s4;
	s29 =	sshrl.u32 s28, $0x3;
	s7 =	sadd.s32 s28, s9  }
0xc: {  	s11 =	ssub.s32 s6, s11;
	s31 =	sshrl.u32 s30, $0x2;
	s8 =	sshrl.u32 s4, $0x3  }
0xd: {  	s4 =	sadd.s32 $0x3EE00, s5;
	s7 =	sshrl.u32 s7, $0x3;
	s18 =	sadd.s32 s31, s2  }
0xe: {  	s11 =	smax.u32 s11, $0x1;
	s10 =	sadd.s32 s8, s5;
	s8 =	sadd.s32 s29, s5  }
0xf: {  	s12 =	sadd.s32 s7, s5;
	s18 =	sshrl.u32 s18, $0x3;
	s5 =	sadd.s32 $0x2E00, s10  }
0x10: {  	s6 =	sadd.s32 $0x7E00, s10;
	s7 =	sadd.s32 $0x16E00, s8;
	s8 =	sadd.s32 $0x3080, s10  }
0x11: {  	s9 =	sadd.s32 $0x8080, s10;
	s10 =	sadd.s32 $0x66000, s12;
	s12 =	simm.s32 $0x3  }
.LBB2_1:
0x12: {  	[tilespmem:s3], [sflag:$0x3] =	stream.linear.gather [hbm4b:s5+s3], $0x1400, $0x38;
	[tilespmem:$0x1E800] =	vst v63  }
0x13: {  	_ =	swait.ge [sflag:s12], $0x1400  }
0x14: {  	[sflag:s12] =	ssyncset.done $0x0  }
0x15: {  	[sflag:s12] =	ssyncadd.s32 $0xFFFFEC00  }
0x16: {  	[tilespmem:s13], [sflag:$0x3] =	stream.linear.gather [hbm4b:s6+s3], $0x1400, $0x38;
	[tilespmem:$0x1E800] =	vst v63  }
0x17: {  	_ =	swait.ge [sflag:s12], $0x1400  }
0x18: {  	[sflag:s12] =	ssyncset.done $0x0  }
0x19: {  	[sflag:s12] =	ssyncadd.s32 $0xFFFFEC00  }
0x1a: {  	[tilespmem:s15], [sflag:$0x1] =	stream.indirect.gather [hbm4b:s4+s14], $0x80, s3, s14, $0xb8;
	[tilespmem:$0x1E800] =	vst v63  }
0x1b: {  	_ = 	snop  }
0x1c: {  	[tilespmem:s16], [sflag:$0x2] =	stream.indirect.gather [hbm4b:s4+s14], $0x80, s14, s14, $0xb8;
	[tilespmem:$0x1E800] =	vst v63  }
0x1d: {  	[spmem:s18], [sflag:s17] =	dma.local [hbm:s7], $0x2800  }
0x1e: {  	_ =	swait.ge [sflag:s12], $0x2800  }
0x1f: {  	[sflag:s12] =	ssyncset.done $0x0  }
0x20: {  	[sflag:s12] =	ssyncadd.s32 $0xFFFFD800  }
0x21: {  	[bflag:$0x0] =	sbarrier.arrive $0xFFFF  }
0x22: {  	_ =	swait.ge [sflag:s19], $0x4000  }
0x23: {  	[sflag:s19] =	ssyncset.done $0x0  }
0x24: {  	s24 =	simm.s32 $0x1400;
	[sflag:s19] =	ssyncadd.s32 $0xFFFFC000  }
0x25: {  	[spmem:s2] =	stream.indirect.scatter.add.f32 [tilespmem:s15], [sflag:$0x3], $0x80, s24, s14, $0xb8;
	[tilespmem:$0x1E800] =	vst v63  }
0x26: {  	_ =	swait.ge [sflag:s12], $0x4000  }
0x27: {  	[sflag:s12] =	ssyncset.done $0x0  }
0x28: {  	s30 =	simm.s32 $0x100;
	[sflag:s12] =	ssyncadd.s32 $0xFFFFC000  }
0x29: {  	[tilespmem:s15], [sflag:$0x1] =	stream.indirect.gather [hbm4b:s4+s14], $0x80, s30, s14, $0xb8;
	[tilespmem:$0x1E800] =	vst v63  }
0x2a: {  	_ =	swait.ge [sflag:s20], $0x4000  }
0x2b: {  	[sflag:s20] =	ssyncset.done $0x0  }
0x2c: {  	s31 =	simm.s32 $0x1480;
	[sflag:s20] =	ssyncadd.s32 $0xFFFFC000  }
0x2d: {  	[spmem:s2] =	stream.indirect.scatter.add.f32 [tilespmem:s16], [sflag:$0x3], $0x80, s31, s14, $0xb8;
	[tilespmem:$0x1E800] =	vst v63  }
0x2e: {  	_ =	swait.ge [sflag:s12], $0x4000  }
0x2f: {  	[sflag:s12] =	ssyncset.done $0x0  }
0x30: {  	s25 =	simm.s32 $0x180;
	s24 =	simm.s32 $0x400;
	[sflag:s12] =	ssyncadd.s32 $0xFFFFC000  }
.LBB2_2:
0x31: {  	[tilespmem:s16], [sflag:$0x2] =	stream.indirect.gather [hbm4b:s4+s14], $0x80, s25, s14, $0xb8;
	[tilespmem:$0x1E800] =	vst v63  }
0x32: {  	s25 =	smov.u32 s24  }
0x33: {  	p0 =	sne.s32 s24, $0x4800;
	s24 =	sadd.s32 $0x400, s24;
	_ =	swait.ge [sflag:s19], $0x4000  }
0x34: {  	s25 =	sshra.s32 s25, $0x2;
	[sflag:s19] =	ssyncset.done $0x0  }
0x35: {  	s26 =	sadd.s32 $0x1400, s25;
	[sflag:s19] =	ssyncadd.s32 $0xFFFFC000  }
0x36: {  	[spmem:s2] =	stream.indirect.scatter.add.f32 [tilespmem:s15], [sflag:$0x3], $0x80, s26, s14, $0xb8;
	[tilespmem:$0x1E800] =	vst v63  }
0x37: {  	_ =	swait.ge [sflag:s12], $0x4000  }
0x38: {  	[sflag:s12] =	ssyncset.done $0x0  }
0x39: {  	s26 =	sadd.s32 $0x100, s25;
	[sflag:s12] =	ssyncadd.s32 $0xFFFFC000  }
0x3a: {  	[tilespmem:s15], [sflag:$0x1] =	stream.indirect.gather [hbm4b:s4+s14], $0x80, s26, s14, $0xb8;
	[tilespmem:$0x1E800] =	vst v63  }
0x3b: {  	_ =	swait.ge [sflag:s20], $0x4000  }
0x3c: {  	[sflag:s20] =	ssyncset.done $0x0  }
.Ltmp0:
0x3d: {  	s26 =	sadd.s32 $0x1480, s25;
	[sflag:s20] =	ssyncadd.s32 $0xFFFFC000;
	(pc) =	sbr.rel @p0 .LBB2_2-.Ltmp0, $4  }
0x3e: {  	[spmem:s2] =	stream.indirect.scatter.add.f32 [tilespmem:s16], [sflag:$0x3], $0x80, s26, s14, $0xb8;
	[tilespmem:$0x1E800] =	vst v63  }
0x3f: {  	_ =	swait.ge [sflag:s12], $0x4000  }
0x40: {  	[sflag:s12] =	ssyncset.done $0x0  }
0x41: {  	s25 =	sadd.s32 $0x180, s25;
	[sflag:s12] =	ssyncadd.s32 $0xFFFFC000  }
0x42: {  	[tilespmem:s16], [sflag:$0x2] =	stream.indirect.gather [hbm4b:s4+s14], $0x80, s25, s14, $0xb8;
	[tilespmem:$0x1E800] =	vst v63  }
0x43: {  	_ =	swait.ge [sflag:s19], $0x4000  }
0x44: {  	[sflag:s19] =	ssyncset.done $0x0  }
0x45: {  	[sflag:s19] =	ssyncadd.s32 $0xFFFFC000  }
0x46: {  	[spmem:s2] =	stream.indirect.scatter.add.f32 [tilespmem:s15], [sflag:$0x3], $0x80, s21, s14, $0xb8;
	[tilespmem:$0x1E800] =	vst v63  }
0x47: {  	_ =	swait.ge [sflag:s12], $0x4000  }
0x48: {  	[sflag:s12] =	ssyncset.done $0x0  }
0x49: {  	[sflag:s12] =	ssyncadd.s32 $0xFFFFC000  }
0x4a: {  	_ =	swait.ge [sflag:s20], $0x4000  }
0x4b: {  	[sflag:s20] =	ssyncset.done $0x0  }
0x4c: {  	[sflag:s20] =	ssyncadd.s32 $0xFFFFC000  }
0x4d: {  	[spmem:s2] =	stream.indirect.scatter.add.f32 [tilespmem:s16], [sflag:$0x3], $0x80, s22, s14, $0xb8;
	[tilespmem:$0x1E800] =	vst v63  }
0x4e: {  	_ =	swait.ge [sflag:s12], $0x4000  }
0x4f: {  	[sflag:s12] =	ssyncset.done $0x0  }
0x50: {  	s24 =	simm.s32 $0x0;
	[sflag:s12] =	ssyncadd.s32 $0xFFFFC000  }
0x51: {  	[tilespmem:s24], [sflag:$0x3] =	stream.linear.gather [hbm4b:s8+s24], $0x1400, $0x38;
	[tilespmem:$0x1E800] =	vst v63  }
0x52: {  	_ =	swait.ge [sflag:s12], $0x1400  }
0x53: {  	[sflag:s12] =	ssyncset.done $0x0  }
0x54: {  	[sflag:s12] =	ssyncadd.s32 $0xFFFFEC00  }
0x55: {  	[tilespmem:s13], [sflag:$0x3] =	stream.linear.gather [hbm4b:s9+s24], $0x1400, $0x38;
	[tilespmem:$0x1E800] =	vst v63  }
0x56: {  	_ =	swait.ge [sflag:s12], $0x1400  }
0x57: {  	[sflag:s12] =	ssyncset.done $0x0  }
0x58: {  	[sflag:s12] =	ssyncadd.s32 $0xFFFFEC00  }
0x59: {  	[tilespmem:s15], [sflag:$0x1] =	stream.indirect.gather [hbm4b:s4+s14], $0x80, s24, s14, $0xb8;
	[tilespmem:$0x1E800] =	vst v63  }
0x5a: {  	_ = 	snop  }
0x5b: {  	[tilespmem:s16], [sflag:$0x2] =	stream.indirect.gather [hbm4b:s4+s14], $0x80, s14, s14, $0xb8;
	[tilespmem:$0x1E800] =	vst v63  }
0x5c: {  	_ =	swait.ge [sflag:s19], $0x4000  }
0x5d: {  	[sflag:s19] =	ssyncset.done $0x0  }
0x5e: {  	s29 =	simm.s32 $0x1400;
	[sflag:s19] =	ssyncadd.s32 $0xFFFFC000  }
0x5f: {  	[spmem:s2] =	stream.indirect.scatter.add.f32 [tilespmem:s15], [sflag:$0x3], $0x80, s29, s14, $0xb8;
	[tilespmem:$0x1E800] =	vst v63  }
0x60: {  	_ =	swait.ge [sflag:s12], $0x4000  }
0x61: {  	[sflag:s12] =	ssyncset.done $0x0  }
0x62: {  	s30 =	simm.s32 $0x100;
	[sflag:s12] =	ssyncadd.s32 $0xFFFFC000  }
0x63: {  	[tilespmem:s15], [sflag:$0x1] =	stream.indirect.gather [hbm4b:s4+s14], $0x80, s30, s14, $0xb8;
	[tilespmem:$0x1E800] =	vst v63  }
0x64: {  	_ =	swait.ge [sflag:s20], $0x4000  }
0x65: {  	[sflag:s20] =	ssyncset.done $0x0  }
0x66: {  	s31 =	simm.s32 $0x1480;
	[sflag:s20] =	ssyncadd.s32 $0xFFFFC000  }
0x67: {  	[spmem:s2] =	stream.indirect.scatter.add.f32 [tilespmem:s16], [sflag:$0x3], $0x80, s31, s14, $0xb8;
	[tilespmem:$0x1E800] =	vst v63  }
0x68: {  	_ =	swait.ge [sflag:s12], $0x4000  }
0x69: {  	[sflag:s12] =	ssyncset.done $0x0  }
0x6a: {  	s25 =	simm.s32 $0x180;
	s24 =	simm.s32 $0x400;
	[sflag:s12] =	ssyncadd.s32 $0xFFFFC000  }
.LBB2_4:
0x6b: {  	[tilespmem:s16], [sflag:$0x2] =	stream.indirect.gather [hbm4b:s4+s14], $0x80, s25, s14, $0xb8;
	[tilespmem:$0x1E800] =	vst v63  }
0x6c: {  	s25 =	smov.u32 s24  }
0x6d: {  	p0 =	sne.s32 s24, $0x4800;
	s24 =	sadd.s32 $0x400, s24;
	_ =	swait.ge [sflag:s19], $0x4000  }
0x6e: {  	s25 =	sshra.s32 s25, $0x2;
	[sflag:s19] =	ssyncset.done $0x0  }
0x6f: {  	s26 =	sadd.s32 $0x1400, s25;
	[sflag:s19] =	ssyncadd.s32 $0xFFFFC000  }
0x70: {  	[spmem:s2] =	stream.indirect.scatter.add.f32 [tilespmem:s15], [sflag:$0x3], $0x80, s26, s14, $0xb8;
	[tilespmem:$0x1E800] =	vst v63  }
0x71: {  	_ =	swait.ge [sflag:s12], $0x4000  }
0x72: {  	[sflag:s12] =	ssyncset.done $0x0  }
0x73: {  	s26 =	sadd.s32 $0x100, s25;
	[sflag:s12] =	ssyncadd.s32 $0xFFFFC000  }
0x74: {  	[tilespmem:s15], [sflag:$0x1] =	stream.indirect.gather [hbm4b:s4+s14], $0x80, s26, s14, $0xb8;
	[tilespmem:$0x1E800] =	vst v63  }
0x75: {  	_ =	swait.ge [sflag:s20], $0x4000  }
0x76: {  	[sflag:s20] =	ssyncset.done $0x0  }
.Ltmp1:
0x77: {  	s26 =	sadd.s32 $0x1480, s25;
	[sflag:s20] =	ssyncadd.s32 $0xFFFFC000;
	(pc) =	sbr.rel @p0 .LBB2_4-.Ltmp1, $4  }
0x78: {  	[spmem:s2] =	stream.indirect.scatter.add.f32 [tilespmem:s16], [sflag:$0x3], $0x80, s26, s14, $0xb8;
	[tilespmem:$0x1E800] =	vst v63  }
0x79: {  	_ =	swait.ge [sflag:s12], $0x4000  }
0x7a: {  	[sflag:s12] =	ssyncset.done $0x0  }
0x7b: {  	s25 =	sadd.s32 $0x180, s25;
	[sflag:s12] =	ssyncadd.s32 $0xFFFFC000  }
0x7c: {  	[tilespmem:s16], [sflag:$0x2] =	stream.indirect.gather [hbm4b:s4+s14], $0x80, s25, s14, $0xb8;
	[tilespmem:$0x1E800] =	vst v63  }
0x7d: {  	_ =	swait.ge [sflag:s19], $0x4000  }
0x7e: {  	[sflag:s19] =	ssyncset.done $0x0  }
0x7f: {  	[sflag:s19] =	ssyncadd.s32 $0xFFFFC000  }
0x80: {  	[spmem:s2] =	stream.indirect.scatter.add.f32 [tilespmem:s15], [sflag:$0x3], $0x80, s21, s14, $0xb8;
	[tilespmem:$0x1E800] =	vst v63  }
0x81: {  	_ =	swait.ge [sflag:s12], $0x4000  }
0x82: {  	[sflag:s12] =	ssyncset.done $0x0  }
0x83: {  	[sflag:s12] =	ssyncadd.s32 $0xFFFFC000  }
0x84: {  	_ =	swait.ge [sflag:s20], $0x4000  }
0x85: {  	[sflag:s20] =	ssyncset.done $0x0  }
0x86: {  	[sflag:s20] =	ssyncadd.s32 $0xFFFFC000  }
0x87: {  	[spmem:s2] =	stream.indirect.scatter.add.f32 [tilespmem:s16], [sflag:$0x3], $0x80, s22, s14, $0xb8;
	[tilespmem:$0x1E800] =	vst v63  }
0x88: {  	_ =	swait.ge [sflag:s12], $0x4000  }
0x89: {  	s23 =	sadd.s32 $0x1, s23;
	[sflag:s12] =	ssyncset.done $0x0  }
0x8a: {  	p0 =	sne.s32 s23, s11;
	[sflag:s12] =	ssyncadd.s32 $0xFFFFC000  }
.Ltmp2:
0x8b: {  	[bflag:$0x0] =	sbarrier.arrive $0xFFFF;
	(pc) =	sbr.rel @p0 .LBB2_1-.Ltmp2, $4  }
0x8c: {  	[hbm:s10], [sflag:s17] =	dma.local [spmem:s18], $0x2800  }
0x8d: {  	_ =	swait.ge [sflag:s12], $0x2800  }
0x8e: {  	[sflag:s12] =	ssyncset.done $0x0  }
0x8f: {  	[sflag:s12] =	ssyncadd.s32 $0xFFFFD800  }
0x90: {  	_ =	sfence.sel $0x180000  }
0x91: {  	[bflag:$0x0] =	sbarrier.arrive $0xFFFF  }
0x92: {  	p0 =	sne.s32 s0, $0x0;
	_ =	strace $0x9000004A  }
0x93: {  	s0 =	sadd.s32 @!p0 $0x100000, s1;
	[bflag:$0x2] =	sbarrier.arrive $0xFFFF  }
0x94: {  	[sflag:s0] =	ssyncadd.tile.s32 @!p0 $0x1;
	_ =	shalt  }
.Lfunc_end2:
_tile_overlayer_lowered:
.L_overlay_start_2:
0x95: {  	(tag) =	ssettag $0x2  }
0x96: {  	s0 =	rddreg [dreg:$0x0];
	s2 =	stileid.u32  }
0x97: {  	s1 =	rddreg [dreg:$0x1];
	p0 =	sne.s32 s2, $0x0  }
0x98: {  	s3 =	rddreg [dreg:$0x2];
	[bflag:$0x3] =	sbarrier.arrive $0xFFFF;
	s2 =	simm.s32 @!p0 $0x1C03  }
0x99: {  	[timem:s3], [sflag:s2] =	dma.local @!p0 [hbm:s0], s1  }
0x9a: {  	s0 =	simm.s32 @!p0 $0x3  }
0x9b: {  	_ =	swait.ge @!p0 [sflag:s0], s1  }
0x9c: {  	s1 =	ssub.s32 @!p0 $0x0, s1;
	[sflag:s0] =	ssyncset.done @!p0 $0x0  }
0x9d: {  	[sflag:s0] =	ssyncadd.s32 @!p0 s1  }
0x9e: {  	[bflag:$0x3] =	sbarrier.arrive $0xFFFF  }
0x9f: {  	_ =	shalt  }

// kernel: kernel.7.cloned.1.call-start
scs
__scs_entry_jumppad:
0x0: {  	(pc) =	sbr.rel $0x88, $3  }
0x1: {  	(tag) =	ssettag $0x0;
	lr =	simm.s32 $0x1  }
0x2: {  	[smem:$0x3F91] =	sst lr;
	_ =	strace $0xD0000000  }
0x3: {  	_ = 	snop  }
0x4: {  	_ = 	snop  }
0x5: {  	_ = 	snop  }
0x6: {  	_ = 	snop  }
0x7: {  	_ = 	snop  }
__scs_overlays_trampoline_lowered:
0x8: {  	[smem:$0x3FA0] =	sst s0  }
0x9: {  	[smem:$0x3FA1] =	sst s1  }
0xa: {  	[smem:$0x3FA2] =	sst s2  }
0xb: {  	[smem:$0x3FA3] =	sst s3  }
0xc: {  	[smem:$0x3FA4] =	sst s4  }
0xd: {  	[smem:$0x3FA5] =	sst s5  }
0xe: {  	[smem:$0x3FA6] =	sst s6  }
0xf: {  	[smem:$0x3FA7] =	sst s7  }
0x10: {  	[smem:$0x3FA8] =	sst s8  }
0x11: {  	[smem:$0x3FA9] =	sst s9;
	s0 =	simm.s32 @!p0 $0x0  }
0x12: {  	s1 =	sld [smem:$0x3F8F];
	s0 =	simm.s32 @p0 $0x1  }
0x13: {  	[smem:$0x3FAA] =	sst s0;
	s0 =	simm.s32 @!p1 $0x0  }
0x14: {  	s2 =	sld [smem:$0x3F8E];
	s0 =	simm.s32 @p1 $0x1  }
0x15: {  	[smem:$0x3FAB] =	sst s0;
	s0 =	simm.s32 @!p2 $0x0  }
0x16: {  	s3 =	sld [smem:$0x3FDB];
	s0 =	simm.s32 @p2 $0x1  }
0x17: {  	s4 =	simm.s32 $0x1BF5;
	[smem:$0x3FAD] =	sst s0  }
0x18: {  	s0 =	sld [smem:$0x3F90];
	_ =	swait.ge [sflag:s4], $0x0  }
0x19: {  	s7 =	sld [smem:$0x3F91]  }
0x1a: {  	s8 =	sadd.s32 $0xFFFFE003, lr  }
0x1b: {  	s9 =	sadd.s32 $0xFFFFFEF7, lr;
	s5 =	simm.s32 $0xFFFFFFFF;
	p2 =	slt.u32 s8, $0xFFFFF086  }
0x1c: {  	p1 =	slt.u32 s9, $0xF7A;
	s5 =	simm.s32 @!p2 $0x0  }
0x1d: {  	s5 =	simm.s32 @p1 $0x1;
	p0 =	seq.s32 s7, s2  }
0x1e: {  	s7 =	smul.u32 @!p0 $0xF7A, s2;
	p2 =	seq.s32 @!p0 s5, $0x0  }
0x1f: {  	s9 =	smul.u32 $0xF7A, s1;
	s8 =	simm.s32 @!p0 $0x1BF5;
	p2 =	por !p2, p0  }
0x20: {  	[sflag:s8] =	ssyncset.s32 @!p0 $0xFFFFF086;
	s6 =	sadd.s32 @!p0 s3, s7;
	s7 =	simm.s32 @!p0 $0x108  }
0x21: {  	s3 =	sadd.s32 s3, s9;
	s6 =	sadd.s32 @!p0 $0x88, s6;
	s7 =	simm.s32 @p2 $0x1082  }
0x22: {  	[simem:s7], [sflag:s8] =	dma.local @!p0 [hbm:s6], $0xF7A  }
0x23: {  	s9 =	sor.u32 $0xD0000000, s2;
	s6 =	simm.s32 $0x108;
	_ =	swait.ge @!p0 [sflag:s8], $0x0  }
0x24: {  	s3 =	sadd.s32 $0x88, s3;
	s6 =	simm.s32 @!p1 $0x1082;
	[sflag:s4] =	ssyncset.s32 $0xFFFFF086  }
0x25: {  	[simem:s6], [sflag:s4] =	dma.local [hbm:s3], $0xF7A  }
0x26: {  	[smem:$0x3F91] =	sst s1;
	(tag) =	ssettag s2;
	_ =	strace s9  }
0x27: {  	s1 =	sld [smem:$0x3FA1]  }
0x28: {  	s2 =	sld [smem:$0x3FA2]  }
0x29: {  	s4 =	sld [smem:$0x3FA4]  }
0x2a: {  	p0 =	seq.s32 s5, $0x0;
	s5 =	sld [smem:$0x3FA5]  }
0x2b: {  	s6 =	sld [smem:$0x3FA6]  }
0x2c: {  	s7 =	sld [smem:$0x3FA7]  }
0x2d: {  	s3 =	simm.s32 $0x108;
	s8 =	sld [smem:$0x3FA8]  }
0x2e: {  	s3 =	simm.s32 @!p0 $0x1082;
	s9 =	sld [smem:$0x3FA9]  }
0x2f: {  	lr =	sadd.s32 s0, s3;
	s0 =	sld [smem:$0x3FA0]  }
0x30: {  	s3 =	sld [smem:$0x3FA3]  }
0x31: {  	[smem:$0x3FAC] =	sst s10  }
0x32: {  	s10 =	sld [smem:$0x3FAA];
	_ =	sdelay $0x3  }
0x33: {  	p0 =	seq.s32 s10, $0x1;
	s10 =	sld [smem:$0x3FAC];
	_ =	sdelay $0x3  }
0x34: {  	[smem:$0x3FAC] =	sst s10  }
0x35: {  	s10 =	sld [smem:$0x3FAB];
	_ =	sdelay $0x3  }
0x36: {  	p1 =	seq.s32 s10, $0x1;
	s10 =	sld [smem:$0x3FAC];
	_ =	sdelay $0x3  }
0x37: {  	[smem:$0x3FAC] =	sst s10  }
0x38: {  	s10 =	sld [smem:$0x3FAD]  }
0x39: {  	_ = 	snop;
	(pc) =	sbr.ind lr, $3  }
0x3a: {  	_ = 	snop  }
0x3b: {  	_ = 	snop  }
0x3c: {  	p2 =	seq.s32 s10, $0x1;
	s10 =	sld [smem:$0x3FAC]  }
0x3d: {  	_ =	shalt  }
0x3e: {  	_ =	shalt  }
0x3f: {  	_ =	shalt  }
0x40: {  	_ =	shalt  }
0x41: {  	_ =	shalt  }
0x42: {  	_ =	shalt  }
0x43: {  	_ =	shalt  }
0x44: {  	_ =	shalt  }
0x45: {  	_ =	shalt  }
0x46: {  	_ =	shalt  }
0x47: {  	_ =	shalt  }
0x48: {  	_ =	shalt  }
0x49: {  	_ =	shalt  }
0x4a: {  	_ =	shalt  }
0x4b: {  	_ =	shalt  }
0x4c: {  	_ =	shalt  }
0x4d: {  	_ =	shalt  }
0x4e: {  	_ =	shalt  }
0x4f: {  	_ =	shalt  }
0x50: {  	_ =	shalt  }
0x51: {  	_ =	shalt  }
0x52: {  	_ =	shalt  }
0x53: {  	_ =	shalt  }
0x54: {  	_ =	shalt  }
0x55: {  	_ =	shalt  }
0x56: {  	_ =	shalt  }
0x57: {  	_ =	shalt  }
0x58: {  	_ =	shalt  }
0x59: {  	_ =	shalt  }
0x5a: {  	_ =	shalt  }
0x5b: {  	_ =	shalt  }
0x5c: {  	_ =	shalt  }
0x5d: {  	_ =	shalt  }
0x5e: {  	_ =	shalt  }
0x5f: {  	_ =	shalt  }
0x60: {  	_ =	shalt  }
0x61: {  	_ =	shalt  }
0x62: {  	_ =	shalt  }
0x63: {  	_ =	shalt  }
0x64: {  	_ =	shalt  }
0x65: {  	_ =	shalt  }
0x66: {  	_ =	shalt  }
0x67: {  	_ =	shalt  }
0x68: {  	_ =	shalt  }
0x69: {  	_ =	shalt  }
0x6a: {  	_ =	shalt  }
0x6b: {  	_ =	shalt  }
0x6c: {  	_ =	shalt  }
0x6d: {  	_ =	shalt  }
0x6e: {  	_ =	shalt  }
0x6f: {  	_ =	shalt  }
0x70: {  	_ =	shalt  }
0x71: {  	_ =	shalt  }
0x72: {  	_ =	shalt  }
0x73: {  	_ =	shalt  }
0x74: {  	_ =	shalt  }
0x75: {  	_ =	shalt  }
0x76: {  	_ =	shalt  }
0x77: {  	_ =	shalt  }
0x78: {  	_ =	shalt  }
0x79: {  	_ =	shalt  }
0x7a: {  	_ =	shalt  }
0x7b: {  	_ =	shalt  }
0x7c: {  	_ =	shalt  }
0x7d: {  	_ =	shalt  }
0x7e: {  	_ =	shalt  }
0x7f: {  	_ =	shalt  }
0x80: {  	_ =	shalt  }
0x81: {  	_ =	shalt  }
0x82: {  	_ =	shalt  }
0x83: {  	_ =	shalt  }
0x84: {  	_ =	shalt  }
0x85: {  	_ =	shalt  }
0x86: {  	_ =	shalt  }
0x87: {  	_ =	shalt  }
.Lfunc_end0:
.L_simem_size_0:
called_computation_lowered:
.L_overlay_start_0:
0x88: {  	s2 =	sld [smem:$0x3FD9]  }
0x89: {  	s3 =	sld [smem:$0x3FFE];
	_ =	sdelay $0x1  }
0x8a: {  	s1 =	srdreg.scid  }
0x8b: {  	s0 =	sand.u32 $0x1, s1  }
0x8c: {  	s17 =	sshll.u32 s0, $0xA;
	s2 =	sadd.s32 s3, s2  }
0x8d: {  	s2 =	sadd.s32 s2, s17  }
0x8e: {  	[smem:$0x3FB8] =	sst s2  }
0x8f: {  	_ = 	snop  }
0x90: {  	s2 =	sld [smem:$0x3FC9];
	(tm) =	ssettm $0x1  }
0x91: {  	s18 =	sld [smem:$0x3FFB];
	_ =	sdelay $0x3  }
0x92: {  	_ =	strace s18  }
0x93: {  	s3 =	sld [smem:$0x3FFC];
	_ =	sdelay $0x3  }
0x94: {  	_ =	strace s3  }
0x95: {  	s3 =	sld [smem:$0x3FFD];
	_ =	sdelay $0x3  }
0x96: {  	_ =	strace s3  }
0x97: {  	_ =	strace $0x8FFFFFFF  }
0x98: {  	s19 =	sld [smem:$0x3FDB];
	_ =	sdelay $0x1  }
0x99: {  	s4 =	simm.s32 $_scs_section_size  }
0x9a: {  	s5 =	simm.s32 $_size__tile_overlayer_lowered;
	s6 =	simm.s32 $_tile_overlayer_lowered  }
0x9b: {  	s22 =	simm.s32 $0x1BFF;
	s21 =	sshll.u32 s6, $0x1;
	s3 =	sadd.s32 s4, s19  }
0x9c: {  	s7 =	simm.s32 $0x0;
	s20 =	sshll.u32 s5, $0x1;
	s5 =	sadd.s32 s21, s3  }
0x9d: {  	[timem:s7], [sflag:s22] =	dma.local [hbm:s5], s20  }
0x9e: {  	_ =	swait.ge [sflag:s22], s20  }
0x9f: {  	s4 =	ssub.s32 $0x0, s20;
	[sflag:s22] =	ssyncset.done $0x0  }
0xa0: {  	[sflag:s22] =	ssyncadd.s32 s4;
	_ =	sdelay $0x1  }
0xa1: {  	s23 =	simm.s32 $0x1B8B  }
0xa2: {  	_ =	swait.ge [sflag:s23], $0x1  }
0xa3: {  	[sflag:s23] =	ssyncset.done $0x0  }
0xa4: {  	s25 =	simm.s32 $0x1B8E;
	s24 =	sld [smem:$0x3FFE];
	[sflag:s23] =	ssyncadd.s32 $0xFFFFFFFF  }
0xa5: {  	s26 =	simm.s32 $execute0_lowered;
	[smem:$0x3FD2] =	sst s25  }
0xa6: {  	s5 =	sshll.u32 s26, $0x1;
	_ =	strace $0x80000046;
	[dreg:$0x1] =	wrdreg $0xFFFFFFFF  }
0xa7: {  	s28 =	simm.s32 $_size_execute0_lowered;
	s3 =	sadd.s32 s3, s5;
	[dreg:$0x0] =	wrdreg $0x0  }
0xa8: {  	s5 =	sshll.u32 s28, $0x1;
	[dreg:$0x2] =	wrdreg s3  }
0xa9: {  	[dreg:$0x3] =	wrdreg s5  }
0xaa: {  	[dreg:$0x4] =	wrdreg $0xC0  }
0xab: {  	_ =	task [dreg:s7], $0x5FFFF  }
0xac: {  	[dreg:$0x1] =	wrdreg $0xFFFFFFFF  }
0xad: {  	[dreg:$0x0] =	wrdreg $0x60  }
0xae: {  	[dreg:$0x2] =	wrdreg s2  }
0xaf: {  	[dreg:$0x3] =	wrdreg s24  }
0xb0: {  	[dreg:$0x4] =	wrdreg $0xA8000  }
0xb1: {  	[dreg:$0x5] =	wrdreg $0x9  }
0xb2: {  	_ =	task.clear_ibuf [dreg:s7], $0x6FFFF;
	_ =	strace $0x90000046  }
0xb3: {  	s29 =	simm.s32 $0x9;
	_ =	strace $0x80000048  }
0xb4: {  	_ =	swait.ge [sflag:s29], $0x1  }
0xb5: {  	[sflag:s29] =	ssyncadd.s32 $0xFFFFFFFF  }
0xb6: {  	_ =	strace $0x90000048  }
0xb7: {  	_ =	sfence  }
0xb8: {  	s30 =	sld [smem:$0x0];
	_ =	sdelay $0x2  }
0xb9: {  	s31 =	sshll.u32 s1, $0xD;
	s1 =	sshrl.u32 s1, $0x2  }
0xba: {  	s3 =	sand.u32 $0x4000, s31;
	s1 =	sadd.s32 s1, s30  }
0xbb: {  	s0 =	sor.u32 s3, s0;
	s1 =	sshll.u32 s1, $0x11  }
0xbc: {  	s0 =	sor.u32 s1, s0  }
0xbd: {  	s0 =	sadd.s32 $0x8F2B, s0  }
0xbe: {  	[sflag:s0] =	ssyncadd.remote.s32 $0x1  }
0xbf: {  	_ =	sfence.sel $0xFFFF  }
0xc0: {  	[dreg:$0x0] =	wrdreg $0xFFFFFFFF;
	(pc) =	sbr.abs _section_cstart, $3  }
0xc1: {  	[dreg:$0x1] =	wrdreg $0xFFFFFFFF  }
0xc2: {  	_ =	task.clear_ibuf [dreg:s7], $0x2FFFF;
	_ =	strace $0x9FFFFFFF  }
0xc3: {  	(tm) =	ssettm $0x7FFFFFFF  }
tec
execute0_lowered:
.L_overlay_start_1:
0x0: {  	(tag) =	ssettag $0x1  }
0x1: {  	s1 =	rddreg [dreg:$0x0]  }
0x2: {  	s5 =	rddreg [dreg:$0x1]  }
0x3: {  	s3 =	rddreg [dreg:$0x2]  }
0x4: {  	s0 =	srdreg.scid;
	s2 =	rddreg [dreg:$0x3];
	s4 =	simm.s32 $0x0  }
0x5: {  	s13 =	simm.s32 $0x1400;
	s14 =	simm.s32 $0x80;
	s15 =	simm.s32 $0x2800  }
0x6: {  	s16 =	simm.s32 $0x6800;
	s19 =	simm.s32 $0x1;
	s6 =	sand.u32 $0x1, s0  }
0x7: {  	s20 =	simm.s32 $0x2;
	s0 =	stileid.u32;
	s7 =	smul.u32 $0x50000, s6  }
0x8: {  	s21 =	simm.s32 $0x2700;
	s22 =	simm.s32 $0x2780;
	s8 =	smul.u32 $0x2800, s0  }
0x9: {  	s23 =	simm.s32 $0x0;
	[smem:$0x7FF] =	sst s4;
	s28 =	smul.u32 $0x14000, s0  }
0xa: {  	s9 =	smul.u32 $0x140000, s6;
	_ =	strace $0x80000047;
	s6 =	ssub.s32 $0x2, s6  }
0xb: {  	s30 =	smul.u32 $0x50000, s0;
	s17 =	sshll.u32 s0, $0x6;
	s11 =	sshrl.u32 s6, $0x1  }
0xc: {  	s17 =	sor.u32 $0x1C03, s17;
	s7 =	sadd.s32 s8, s7;
	s29 =	sshrl.u32 s28, $0x3  }
0xd: {  	s8 =	sadd.s32 s28, s9;
	s11 =	ssub.s32 s6, s11;
	s31 =	sshrl.u32 s30, $0x2  }
0xe: {  	s7 =	sshrl.u32 s7, $0x3;
	s8 =	sshrl.u32 s8, $0x3;
	s18 =	sadd.s32 s31, s3  }
0xf: {  	s11 =	smax.u32 s11, $0x1;
	s10 =	sadd.s32 s7, s5;
	s7 =	sadd.s32 s29, s5  }
0x10: {  	s12 =	sadd.s32 s8, s5;
	s18 =	sshrl.u32 s18, $0x3;
	s5 =	sadd.s32 $0x2E00, s10  }
0x11: {  	s6 =	sadd.s32 $0x7E00, s10;
	s7 =	sadd.s32 $0x16E00, s7;
	s8 =	sadd.s32 $0x3080, s10  }
0x12: {  	s9 =	sadd.s32 $0x8080, s10;
	s10 =	sadd.s32 $0x3EE00, s12;
	s12 =	simm.s32 $0x3  }
.LBB2_1:
0x13: {  	[tilespmem:s4], [sflag:$0x3] =	stream.linear.gather [hbm4b:s5+s4], $0x1400, $0x38;
	[tilespmem:$0x1E800] =	vst v63  }
0x14: {  	_ =	swait.ge [sflag:s12], $0x1400  }
0x15: {  	[sflag:s12] =	ssyncset.done $0x0  }
0x16: {  	[sflag:s12] =	ssyncadd.s32 $0xFFFFEC00  }
0x17: {  	[tilespmem:s13], [sflag:$0x3] =	stream.linear.gather [hbm4b:s6+s4], $0x1400, $0x38;
	[tilespmem:$0x1E800] =	vst v63  }
0x18: {  	_ =	swait.ge [sflag:s12], $0x1400  }
0x19: {  	[sflag:s12] =	ssyncset.done $0x0  }
0x1a: {  	[sflag:s12] =	ssyncadd.s32 $0xFFFFEC00  }
0x1b: {  	[tilespmem:s15], [sflag:$0x1] =	stream.indirect.gather [hbm4b:s1+s14], $0x80, s4, s14, $0xb8;
	[tilespmem:$0x1E800] =	vst v63  }
0x1c: {  	_ = 	snop  }
0x1d: {  	[tilespmem:s16], [sflag:$0x2] =	stream.indirect.gather [hbm4b:s1+s14], $0x80, s14, s14, $0xb8;
	[tilespmem:$0x1E800] =	vst v63  }
0x1e: {  	[spmem:s18], [sflag:s17] =	dma.local [hbm:s7], $0x2800  }
0x1f: {  	_ =	swait.ge [sflag:s12], $0x2800  }
0x20: {  	[sflag:s12] =	ssyncset.done $0x0  }
0x21: {  	[sflag:s12] =	ssyncadd.s32 $0xFFFFD800  }
0x22: {  	[bflag:$0x0] =	sbarrier.arrive $0xFFFF  }
0x23: {  	_ =	swait.ge [sflag:s19], $0x4000  }
0x24: {  	[sflag:s19] =	ssyncset.done $0x0  }
0x25: {  	s24 =	simm.s32 $0x1400;
	[sflag:s19] =	ssyncadd.s32 $0xFFFFC000  }
0x26: {  	[spmem:s3] =	stream.indirect.scatter.add.f32 [tilespmem:s15], [sflag:$0x3], $0x80, s24, s14, $0xb8;
	[tilespmem:$0x1E800] =	vst v63  }
0x27: {  	_ =	swait.ge [sflag:s12], $0x4000  }
0x28: {  	[sflag:s12] =	ssyncset.done $0x0  }
0x29: {  	s30 =	simm.s32 $0x100;
	[sflag:s12] =	ssyncadd.s32 $0xFFFFC000  }
0x2a: {  	[tilespmem:s15], [sflag:$0x1] =	stream.indirect.gather [hbm4b:s1+s14], $0x80, s30, s14, $0xb8;
	[tilespmem:$0x1E800] =	vst v63  }
0x2b: {  	_ =	swait.ge [sflag:s20], $0x4000  }
0x2c: {  	[sflag:s20] =	ssyncset.done $0x0  }
0x2d: {  	s31 =	simm.s32 $0x1480;
	[sflag:s20] =	ssyncadd.s32 $0xFFFFC000  }
0x2e: {  	[spmem:s3] =	stream.indirect.scatter.add.f32 [tilespmem:s16], [sflag:$0x3], $0x80, s31, s14, $0xb8;
	[tilespmem:$0x1E800] =	vst v63  }
0x2f: {  	_ =	swait.ge [sflag:s12], $0x4000  }
0x30: {  	[sflag:s12] =	ssyncset.done $0x0  }
0x31: {  	s25 =	simm.s32 $0x180;
	s24 =	simm.s32 $0x400;
	[sflag:s12] =	ssyncadd.s32 $0xFFFFC000  }
.LBB2_2:
0x32: {  	[tilespmem:s16], [sflag:$0x2] =	stream.indirect.gather [hbm4b:s1+s14], $0x80, s25, s14, $0xb8;
	[tilespmem:$0x1E800] =	vst v63  }
0x33: {  	s25 =	smov.u32 s24  }
0x34: {  	p0 =	sne.s32 s24, $0x4800;
	s24 =	sadd.s32 $0x400, s24;
	_ =	swait.ge [sflag:s19], $0x4000  }
0x35: {  	s25 =	sshra.s32 s25, $0x2;
	[sflag:s19] =	ssyncset.done $0x0  }
0x36: {  	s26 =	sadd.s32 $0x1400, s25;
	[sflag:s19] =	ssyncadd.s32 $0xFFFFC000  }
0x37: {  	[spmem:s3] =	stream.indirect.scatter.add.f32 [tilespmem:s15], [sflag:$0x3], $0x80, s26, s14, $0xb8;
	[tilespmem:$0x1E800] =	vst v63  }
0x38: {  	_ =	swait.ge [sflag:s12], $0x4000  }
0x39: {  	[sflag:s12] =	ssyncset.done $0x0  }
0x3a: {  	s26 =	sadd.s32 $0x100, s25;
	[sflag:s12] =	ssyncadd.s32 $0xFFFFC000  }
0x3b: {  	[tilespmem:s15], [sflag:$0x1] =	stream.indirect.gather [hbm4b:s1+s14], $0x80, s26, s14, $0xb8;
	[tilespmem:$0x1E800] =	vst v63  }
0x3c: {  	_ =	swait.ge [sflag:s20], $0x4000  }
0x3d: {  	[sflag:s20] =	ssyncset.done $0x0  }
.Ltmp0:
0x3e: {  	s26 =	sadd.s32 $0x1480, s25;
	[sflag:s20] =	ssyncadd.s32 $0xFFFFC000;
	(pc) =	sbr.rel @p0 .LBB2_2-.Ltmp0, $4  }
0x3f: {  	[spmem:s3] =	stream.indirect.scatter.add.f32 [tilespmem:s16], [sflag:$0x3], $0x80, s26, s14, $0xb8;
	[tilespmem:$0x1E800] =	vst v63  }
0x40: {  	_ =	swait.ge [sflag:s12], $0x4000  }
0x41: {  	[sflag:s12] =	ssyncset.done $0x0  }
0x42: {  	s25 =	sadd.s32 $0x180, s25;
	[sflag:s12] =	ssyncadd.s32 $0xFFFFC000  }
0x43: {  	[tilespmem:s16], [sflag:$0x2] =	stream.indirect.gather [hbm4b:s1+s14], $0x80, s25, s14, $0xb8;
	[tilespmem:$0x1E800] =	vst v63  }
0x44: {  	_ =	swait.ge [sflag:s19], $0x4000  }
0x45: {  	[sflag:s19] =	ssyncset.done $0x0  }
0x46: {  	[sflag:s19] =	ssyncadd.s32 $0xFFFFC000  }
0x47: {  	[spmem:s3] =	stream.indirect.scatter.add.f32 [tilespmem:s15], [sflag:$0x3], $0x80, s21, s14, $0xb8;
	[tilespmem:$0x1E800] =	vst v63  }
0x48: {  	_ =	swait.ge [sflag:s12], $0x4000  }
0x49: {  	[sflag:s12] =	ssyncset.done $0x0  }
0x4a: {  	[sflag:s12] =	ssyncadd.s32 $0xFFFFC000  }
0x4b: {  	_ =	swait.ge [sflag:s20], $0x4000  }
0x4c: {  	[sflag:s20] =	ssyncset.done $0x0  }
0x4d: {  	[sflag:s20] =	ssyncadd.s32 $0xFFFFC000  }
0x4e: {  	[spmem:s3] =	stream.indirect.scatter.add.f32 [tilespmem:s16], [sflag:$0x3], $0x80, s22, s14, $0xb8;
	[tilespmem:$0x1E800] =	vst v63  }
0x4f: {  	_ =	swait.ge [sflag:s12], $0x4000  }
0x50: {  	[sflag:s12] =	ssyncset.done $0x0  }
0x51: {  	s24 =	simm.s32 $0x0;
	[sflag:s12] =	ssyncadd.s32 $0xFFFFC000  }
0x52: {  	[tilespmem:s24], [sflag:$0x3] =	stream.linear.gather [hbm4b:s8+s24], $0x1400, $0x38;
	[tilespmem:$0x1E800] =	vst v63  }
0x53: {  	_ =	swait.ge [sflag:s12], $0x1400  }
0x54: {  	[sflag:s12] =	ssyncset.done $0x0  }
0x55: {  	[sflag:s12] =	ssyncadd.s32 $0xFFFFEC00  }
0x56: {  	[tilespmem:s13], [sflag:$0x3] =	stream.linear.gather [hbm4b:s9+s24], $0x1400, $0x38;
	[tilespmem:$0x1E800] =	vst v63  }
0x57: {  	_ =	swait.ge [sflag:s12], $0x1400  }
0x58: {  	[sflag:s12] =	ssyncset.done $0x0  }
0x59: {  	[sflag:s12] =	ssyncadd.s32 $0xFFFFEC00  }
0x5a: {  	[tilespmem:s15], [sflag:$0x1] =	stream.indirect.gather [hbm4b:s1+s14], $0x80, s24, s14, $0xb8;
	[tilespmem:$0x1E800] =	vst v63  }
0x5b: {  	_ = 	snop  }
0x5c: {  	[tilespmem:s16], [sflag:$0x2] =	stream.indirect.gather [hbm4b:s1+s14], $0x80, s14, s14, $0xb8;
	[tilespmem:$0x1E800] =	vst v63  }
0x5d: {  	_ =	swait.ge [sflag:s19], $0x4000  }
0x5e: {  	[sflag:s19] =	ssyncset.done $0x0  }
0x5f: {  	s29 =	simm.s32 $0x1400;
	[sflag:s19] =	ssyncadd.s32 $0xFFFFC000  }
0x60: {  	[spmem:s3] =	stream.indirect.scatter.add.f32 [tilespmem:s15], [sflag:$0x3], $0x80, s29, s14, $0xb8;
	[tilespmem:$0x1E800] =	vst v63  }
0x61: {  	_ =	swait.ge [sflag:s12], $0x4000  }
0x62: {  	[sflag:s12] =	ssyncset.done $0x0  }
0x63: {  	s30 =	simm.s32 $0x100;
	[sflag:s12] =	ssyncadd.s32 $0xFFFFC000  }
0x64: {  	[tilespmem:s15], [sflag:$0x1] =	stream.indirect.gather [hbm4b:s1+s14], $0x80, s30, s14, $0xb8;
	[tilespmem:$0x1E800] =	vst v63  }
0x65: {  	_ =	swait.ge [sflag:s20], $0x4000  }
0x66: {  	[sflag:s20] =	ssyncset.done $0x0  }
0x67: {  	s31 =	simm.s32 $0x1480;
	[sflag:s20] =	ssyncadd.s32 $0xFFFFC000  }
0x68: {  	[spmem:s3] =	stream.indirect.scatter.add.f32 [tilespmem:s16], [sflag:$0x3], $0x80, s31, s14, $0xb8;
	[tilespmem:$0x1E800] =	vst v63  }
0x69: {  	_ =	swait.ge [sflag:s12], $0x4000  }
0x6a: {  	[sflag:s12] =	ssyncset.done $0x0  }
0x6b: {  	s25 =	simm.s32 $0x180;
	s24 =	simm.s32 $0x400;
	[sflag:s12] =	ssyncadd.s32 $0xFFFFC000  }
.LBB2_4:
0x6c: {  	[tilespmem:s16], [sflag:$0x2] =	stream.indirect.gather [hbm4b:s1+s14], $0x80, s25, s14, $0xb8;
	[tilespmem:$0x1E800] =	vst v63  }
0x6d: {  	s25 =	smov.u32 s24  }
0x6e: {  	p0 =	sne.s32 s24, $0x4800;
	s24 =	sadd.s32 $0x400, s24;
	_ =	swait.ge [sflag:s19], $0x4000  }
0x6f: {  	s25 =	sshra.s32 s25, $0x2;
	[sflag:s19] =	ssyncset.done $0x0  }
0x70: {  	s26 =	sadd.s32 $0x1400, s25;
	[sflag:s19] =	ssyncadd.s32 $0xFFFFC000  }
0x71: {  	[spmem:s3] =	stream.indirect.scatter.add.f32 [tilespmem:s15], [sflag:$0x3], $0x80, s26, s14, $0xb8;
	[tilespmem:$0x1E800] =	vst v63  }
0x72: {  	_ =	swait.ge [sflag:s12], $0x4000  }
0x73: {  	[sflag:s12] =	ssyncset.done $0x0  }
0x74: {  	s26 =	sadd.s32 $0x100, s25;
	[sflag:s12] =	ssyncadd.s32 $0xFFFFC000  }
0x75: {  	[tilespmem:s15], [sflag:$0x1] =	stream.indirect.gather [hbm4b:s1+s14], $0x80, s26, s14, $0xb8;
	[tilespmem:$0x1E800] =	vst v63  }
0x76: {  	_ =	swait.ge [sflag:s20], $0x4000  }
0x77: {  	[sflag:s20] =	ssyncset.done $0x0  }
.Ltmp1:
0x78: {  	s26 =	sadd.s32 $0x1480, s25;
	[sflag:s20] =	ssyncadd.s32 $0xFFFFC000;
	(pc) =	sbr.rel @p0 .LBB2_4-.Ltmp1, $4  }
0x79: {  	[spmem:s3] =	stream.indirect.scatter.add.f32 [tilespmem:s16], [sflag:$0x3], $0x80, s26, s14, $0xb8;
	[tilespmem:$0x1E800] =	vst v63  }
0x7a: {  	_ =	swait.ge [sflag:s12], $0x4000  }
0x7b: {  	[sflag:s12] =	ssyncset.done $0x0  }
0x7c: {  	s25 =	sadd.s32 $0x180, s25;
	[sflag:s12] =	ssyncadd.s32 $0xFFFFC000  }
0x7d: {  	[tilespmem:s16], [sflag:$0x2] =	stream.indirect.gather [hbm4b:s1+s14], $0x80, s25, s14, $0xb8;
	[tilespmem:$0x1E800] =	vst v63  }
0x7e: {  	_ =	swait.ge [sflag:s19], $0x4000  }
0x7f: {  	[sflag:s19] =	ssyncset.done $0x0  }
0x80: {  	[sflag:s19] =	ssyncadd.s32 $0xFFFFC000  }
0x81: {  	[spmem:s3] =	stream.indirect.scatter.add.f32 [tilespmem:s15], [sflag:$0x3], $0x80, s21, s14, $0xb8;
	[tilespmem:$0x1E800] =	vst v63  }
0x82: {  	_ =	swait.ge [sflag:s12], $0x4000  }
0x83: {  	[sflag:s12] =	ssyncset.done $0x0  }
0x84: {  	[sflag:s12] =	ssyncadd.s32 $0xFFFFC000  }
0x85: {  	_ =	swait.ge [sflag:s20], $0x4000  }
0x86: {  	[sflag:s20] =	ssyncset.done $0x0  }
0x87: {  	[sflag:s20] =	ssyncadd.s32 $0xFFFFC000  }
0x88: {  	[spmem:s3] =	stream.indirect.scatter.add.f32 [tilespmem:s16], [sflag:$0x3], $0x80, s22, s14, $0xb8;
	[tilespmem:$0x1E800] =	vst v63  }
0x89: {  	_ =	swait.ge [sflag:s12], $0x4000  }
0x8a: {  	s23 =	sadd.s32 $0x1, s23;
	[sflag:s12] =	ssyncset.done $0x0  }
0x8b: {  	p0 =	sne.s32 s23, s11;
	[sflag:s12] =	ssyncadd.s32 $0xFFFFC000  }
.Ltmp2:
0x8c: {  	[bflag:$0x0] =	sbarrier.arrive $0xFFFF;
	(pc) =	sbr.rel @p0 .LBB2_1-.Ltmp2, $4  }
0x8d: {  	[hbm:s10], [sflag:s17] =	dma.local [spmem:s18], $0x2800  }
0x8e: {  	_ =	swait.ge [sflag:s12], $0x2800  }
0x8f: {  	[sflag:s12] =	ssyncset.done $0x0  }
0x90: {  	[sflag:s12] =	ssyncadd.s32 $0xFFFFD800  }
0x91: {  	_ =	sfence.sel $0x180000  }
0x92: {  	[bflag:$0x0] =	sbarrier.arrive $0xFFFF  }
0x93: {  	p0 =	sne.s32 s0, $0x0;
	_ =	strace $0x90000047  }
0x94: {  	s0 =	sadd.s32 @!p0 $0x100000, s2;
	[bflag:$0x2] =	sbarrier.arrive $0xFFFF  }
0x95: {  	[sflag:s0] =	ssyncadd.tile.s32 @!p0 $0x1;
	_ =	shalt  }
.Lfunc_end2:
_tile_overlayer_lowered:
.L_overlay_start_2:
0x96: {  	(tag) =	ssettag $0x2  }
0x97: {  	s0 =	rddreg [dreg:$0x0];
	s2 =	stileid.u32  }
0x98: {  	s1 =	rddreg [dreg:$0x1];
	p0 =	sne.s32 s2, $0x0  }
0x99: {  	s3 =	rddreg [dreg:$0x2];
	[bflag:$0x3] =	sbarrier.arrive $0xFFFF;
	s2 =	simm.s32 @!p0 $0x1C03  }
0x9a: {  	[timem:s3], [sflag:s2] =	dma.local @!p0 [hbm:s0], s1  }
0x9b: {  	s0 =	simm.s32 @!p0 $0x3  }
0x9c: {  	_ =	swait.ge @!p0 [sflag:s0], s1  }
0x9d: {  	s1 =	ssub.s32 @!p0 $0x0, s1;
	[sflag:s0] =	ssyncset.done @!p0 $0x0  }
0x9e: {  	[sflag:s0] =	ssyncadd.s32 @!p0 s1  }
0x9f: {  	[bflag:$0x3] =	sbarrier.arrive $0xFFFF  }
0xa0: {  	_ =	shalt  }

</sc_bundles>
